<compile_context>
chip_gen: v7x
topology: tpu7x:2x2x1
jax: 0.10.2.dev20260603
libtpu: 0.0.44.dev20260713+nightly
codegen_flags: <defaults>
</compile_context>

<pallas_src>
import jax
import jax.numpy as jnp
from jax import lax
from jax.experimental import pallas as pl
from jax.experimental.pallas import tpu as pltpu
from jax.experimental.pallas import tpu_sc as plsc

N = 4096
MODES = 16
RES = 64
N0 = 1.5
EY_SIZE = 512
TOTAL = (N + 8) * RES
L = 16
NW = 32
HALO = 8
SEG_F = MODES * EY_SIZE
CH = 4
KQ = EY_SIZE // L
BODY = HALO * RES

SPLIT = 2048
SC_ROWS = (N - SPLIT) // NW
SC_NSEG = SC_ROWS + HALO
SC_ACC_F = BODY + (SC_ROWS + 8) * RES
SC_OUT_F = (N + 8 - SPLIT) * RES


def _sc_body(u_hbm, n_hbm, ey_hbm, out_hbm,
             ustage, nstage, wstage, ey_a, ey_b, acc, sem_a, sem_b):
  cid = lax.axis_index("c")
  sid = lax.axis_index("s")
  wid = cid * 16 + sid
  r0 = SPLIT + wid * SC_ROWS
  s_org = r0 - HALO

  pltpu.sync_copy(u_hbm.at[pl.ds(s_org, SC_NSEG)], ustage)
  pltpu.sync_copy(n_hbm.at[pl.ds(s_org, SC_NSEG)], nstage)

  def wbody(li, _):
    nv = nstage[li]
    wstage[li] = (nv * N0 / (nv + N0)) * ustage[li]
    return 0
  lax.fori_loop(0, SC_NSEG, wbody, 0)

  def zbody(i, _):
    acc[pl.ds(i * L, L)] = jnp.zeros((L,), jnp.float32)
    return 0
  lax.fori_loop(0, SC_ACC_F // L, zbody, 0)

  def ey_copy(seg, buf, sem):
    return pltpu.make_async_copy(ey_hbm.at[pl.ds(seg, CH)], buf, sem)

  def compute(seg, buf, ci):
    li = seg - s_org
    base = li * RES
    wv = wstage[li]

    zero = jnp.zeros((L,), jnp.float32)
    kh = KQ // 2
    for half in range(2):
      koff = half * kh * L

      def mbody(m, accs, koff=koff):
        wm = wv.at[jnp.full((L,), m, jnp.int32)].get(mode="promise_in_bounds")
        return tuple(a + wm * buf[ci, m, pl.ds(koff + k * L, L)]
                     for k, a in enumerate(accs))

      accs = lax.fori_loop(0, MODES, mbody, (zero,) * kh)
      for k in range(kh):
        plsc.addupdate(acc.at[pl.ds(base + koff + k * L, L)], accs[k])

  ey_copy(s_org, ey_a, sem_a).start()
  ey_copy(s_org + CH, ey_b, sem_b).start()

  def chunk(s0c, buf):
    def cbody(c, _):
      compute(s0c + c, buf, c)
      return 0
    lax.fori_loop(0, CH, cbody, 0)

  s_hi = s_org + SC_NSEG

  def pbody(p, _):
    sa = s_org + 2 * p * CH
    ey_copy(sa, ey_a, sem_a).wait()
    chunk(sa, ey_a)

    @pl.when(sa + 2 * CH < s_hi)
    def _():
      ey_copy(sa + 2 * CH, ey_a, sem_a).start()

    sb = sa + CH
    ey_copy(sb, ey_b, sem_b).wait()
    chunk(sb, ey_b)

    @pl.when(sb + 2 * CH < s_hi)
    def _():
      ey_copy(sb + 2 * CH, ey_b, sem_b).start()
    return 0
  lax.fori_loop(0, SC_NSEG // (2 * CH), pbody, 0)

  @pl.when(wid != NW - 1)
  def _():
    pltpu.sync_copy(acc.at[pl.ds(BODY, SC_ROWS * RES)],
                    out_hbm.at[pl.ds(wid * SC_ROWS * RES, SC_ROWS * RES)])

  @pl.when(wid == NW - 1)
  def _():
    pltpu.sync_copy(acc.at[pl.ds(BODY, (SC_ROWS + 8) * RES)],
                    out_hbm.at[pl.ds(wid * SC_ROWS * RES, (SC_ROWS + 8) * RES)])


_sc_call = pl.kernel(
    _sc_body,
    out_type=jax.ShapeDtypeStruct((SC_OUT_F,), jnp.float32),
    mesh=plsc.VectorSubcoreMesh(core_axis_name="c", subcore_axis_name="s"),
    scratch_types=[
        pltpu.VMEM((SC_NSEG, L), jnp.float32),
        pltpu.VMEM((SC_NSEG, L), jnp.float32),
        pltpu.VMEM((SC_NSEG, L), jnp.float32),
        pltpu.VMEM((CH, MODES, EY_SIZE), jnp.float32),
        pltpu.VMEM((CH, MODES, EY_SIZE), jnp.float32),
        pltpu.VMEM((SC_ACC_F,), jnp.float32),
        pltpu.SemaphoreType.DMA,
        pltpu.SemaphoreType.DMA,
    ],
)



TC_B = 64
TC_G = SPLIT // TC_B


def _tc_body(u_ref, n_ref, ey_ref, out_ref, carry):
  g = pl.program_id(0)

  @pl.when(g == 0)
  def _():
    carry[...] = jnp.zeros((8, RES), jnp.float32)

  eta = n_ref[...] * N0 / (n_ref[...] + N0)
  w = eta * u_ref[...]
  ey_sum = w[:, 0:1] * ey_ref[:, 0, :]
  for m in range(1, MODES):
    ey_sum = ey_sum + w[:, m:m + 1] * ey_ref[:, m, :]
  chunks = ey_sum.reshape(TC_B, 8, RES)
  acc = jnp.zeros((TC_B + 7, RES), jnp.float32)
  for c in range(8):
    acc = acc + jnp.pad(chunks[:, c, :], ((c, 7 - c), (0, 0)))
  out_ref[...] = acc[:TC_B] + jnp.pad(carry[:7], ((0, TC_B - 7), (0, 0)))
  carry[:7] = acc[TC_B:]


_tc_call = pl.pallas_call(
    _tc_body,
    grid=(TC_G,),
    in_specs=[
        pl.BlockSpec((TC_B, MODES), lambda g: (g, 0)),
        pl.BlockSpec((TC_B, MODES), lambda g: (g, 0)),
        pl.BlockSpec((TC_B, MODES, EY_SIZE), lambda g: (g, 0, 0)),
    ],
    out_specs=pl.BlockSpec((TC_B, RES), lambda g: (g, 0)),
    out_shape=jax.ShapeDtypeStruct((SPLIT, RES), jnp.float32),
    scratch_shapes=[pltpu.VMEM((8, RES), jnp.float32)],
)


@jax.jit
def kernel(hs, U, neff, Ey):
  del hs
  tc_rows = _tc_call(U, neff, Ey)
  sc_rows = _sc_call(U, neff, Ey)
  en_p = jnp.concatenate([tc_rows.reshape(-1), sc_rows])
  return jnp.roll(en_p, RES // 2)

# --- scband reference (transcript-rebuilt; emitter-appended) ---
"""Pipeline reference for scband-gen-en-11347303596497 (READ-ONLY COPY).

The authoritative reference and input builder live on the scoring server;
editing this copy changes nothing except your own understanding.
"""

import jax, jax.numpy as jnp
import numpy as np

N = 4096
MODES = 16
RES = 64
KNN = 3
N0 = 1.5
EY_SIZE = 2 * (KNN + 1) * RES  # 512
TOTAL_SIZE = (N + 2 * (KNN + 1)) * RES  # 262656


def setup_inputs(seed: int = 0) -> dict:
    key = jax.random.key(seed)
    k1, k2, k3, k4 = jax.random.split(key, 4)
    hs = jax.random.normal(k1, (N,), dtype=jnp.float32)
    U = jax.random.normal(k2, (N, MODES), dtype=jnp.float32)
    neff = jax.random.uniform(k3, (N, MODES), dtype=jnp.float32)
    Ey = jax.random.normal(k4, (N, MODES, EY_SIZE), dtype=jnp.float32)
    return {"hs": hs, "U": U, "neff": neff, "Ey": Ey}


def reference(hs, U, neff, Ey):
    # eta weighting: neff * n0 / (neff + n0)
    eta = neff * N0 / (neff + N0)  # [N, modes]
    Ey_w = eta[:, :, None] * Ey * U[:, :, None]  # [N, modes, EY_SIZE]
    # For segment i, mode m: window is [center - radius, center + radius)
    # center = i*RES + RES//2 + (KNN+1)*RES, radius = (KNN+1)*RES
    # -> start = i*RES + RES//2, length = EY_SIZE. Same window for all modes of i,
    # so sum over modes first, then scatter-add windows.
    Ey_sum = Ey_w.sum(axis=1)  # [N, EY_SIZE]
    starts = jnp.arange(N) * RES + RES // 2  # [N]
    idx = starts[:, None] + jnp.arange(EY_SIZE)[None, :]  # [N, EY_SIZE]
    En = jnp.zeros((TOTAL_SIZE,), dtype=jnp.float32)
    En = En.at[idx.reshape(-1)].add(Ey_sum.reshape(-1))
    return En

if __name__ == "__main__":
    import jax
    _d = setup_inputs()
    print(jax.jit(kernel)(*tuple(_d.values())))

</pallas_src>

<mosaic_0001>
#map = affine_map<(d0, d1) -> (0, 0)>
#map1 = affine_map<(d0, d1) -> (0, 0, 0)>
#map2 = affine_map<(d0, d1) -> (0)>
module attributes {stable_mosaic.version = 14 : i64} {
  func.func @_sc_body(%arg0: i32, %arg1: i32, %arg2: memref<4096x16xf32, #tpu.memory_space<hbm>>, %arg3: memref<4096x16xf32, #tpu.memory_space<hbm>>, %arg4: memref<4096x16x512xf32, #tpu.memory_space<hbm>>, %arg5: memref<131584xf32, #tpu.memory_space<hbm>>, %arg6: memref<72x16xf32, #tpu.memory_space<vmem>>, %arg7: memref<72x16xf32, #tpu.memory_space<vmem>>, %arg8: memref<72x16xf32, #tpu.memory_space<vmem>>, %arg9: memref<4x16x512xf32, #tpu.memory_space<vmem>>, %arg10: memref<4x16x512xf32, #tpu.memory_space<vmem>>, %arg11: memref<5120xf32, #tpu.memory_space<vmem>>, %arg12: memref<!tpu.dma_semaphore, #tpu.memory_space<semaphore_mem>>, %arg13: memref<!tpu.dma_semaphore, #tpu.memory_space<semaphore_mem>>) attributes {dimension_semantics = [#tpu.dimension_semantics<core_parallel>, #tpu.dimension_semantics<subcore_parallel>], iteration_bounds = array<i64: 2, 16>, scalar_prefetch = 0 : i64, scratch_operands = 8 : i64, tpu.core_type = #tpu.core_type<sc_vector_subcore>, window_params = [{transform_indices = #map}, {transform_indices = #map}, {transform_indices = #map1}, {transform_indices = #map2}]} {
    %mul3A = arith.constant 16 : i32
    %mul3A_0 = arith.muli %arg0, %mul3A : i32
    %add3A = arith.addi %mul3A_0, %arg1 : i32
    %mul3A_1 = arith.constant 64 : i32
    %mul3A_2 = arith.muli %add3A, %mul3A_1 : i32
    %add3A_3 = arith.constant 2048 : i32
    %add3A_4 = arith.addi %add3A_3, %mul3A_2 : i32
    %sub3A = arith.constant 8 : i32
    %sub3A_5 = arith.subi %add3A_4, %sub3A : i32
    "tpu.region"() ({
      %run_scoped3A = tpu.sem_alloc : memref<!tpu.dma_semaphore, #tpu.memory_space<semaphore_mem>>
      %dma_start3A_47 = arith.constant 0 : i32
      %dma_start3A_48 = tpu.memref_slice %arg2[%sub3A_5, %dma_start3A_47] : memref<4096x16xf32, #tpu.memory_space<hbm>> -> memref<72x16xf32, #tpu.memory_space<hbm>>
      %dma_start3A_49 = arith.constant 0 : i32
      %dma_start3A_50 = tpu.memref_slice %arg2[%sub3A_5, %dma_start3A_49] : memref<4096x16xf32, #tpu.memory_space<hbm>> -> memref<72x16xf32, #tpu.memory_space<hbm>>
      tpu.enqueue_dma source(%dma_start3A_50 : memref<72x16xf32, #tpu.memory_space<hbm>>) target(%arg6 : memref<72x16xf32, #tpu.memory_space<vmem>>) target_semaphore(%run_scoped3A : memref<!tpu.dma_semaphore, #tpu.memory_space<semaphore_mem>>)
      %dma_wait3A = arith.constant 0 : i32
      %dma_wait3A_51 = tpu.memref_slice %arg2[%sub3A_5, %dma_wait3A] : memref<4096x16xf32, #tpu.memory_space<hbm>> -> memref<72x16xf32, #tpu.memory_space<hbm>>
      %dma_wait3A_52 = arith.constant 0 : i32
      %dma_wait3A_53 = tpu.memref_slice %arg2[%sub3A_5, %dma_wait3A_52] : memref<4096x16xf32, #tpu.memory_space<hbm>> -> memref<72x16xf32, #tpu.memory_space<hbm>>
      tpu.wait_dma2 semaphore(%run_scoped3A : memref<!tpu.dma_semaphore, #tpu.memory_space<semaphore_mem>>) src(%dma_wait3A_53 : memref<72x16xf32, #tpu.memory_space<hbm>>) dst(%arg6 : memref<72x16xf32, #tpu.memory_space<vmem>>)
      tpu.yield
    }) : () -> ()
    "tpu.region"() ({
      %run_scoped3A = tpu.sem_alloc : memref<!tpu.dma_semaphore, #tpu.memory_space<semaphore_mem>>
      %dma_start3A_47 = arith.constant 0 : i32
      %dma_start3A_48 = tpu.memref_slice %arg3[%sub3A_5, %dma_start3A_47] : memref<4096x16xf32, #tpu.memory_space<hbm>> -> memref<72x16xf32, #tpu.memory_space<hbm>>
      %dma_start3A_49 = arith.constant 0 : i32
      %dma_start3A_50 = tpu.memref_slice %arg3[%sub3A_5, %dma_start3A_49] : memref<4096x16xf32, #tpu.memory_space<hbm>> -> memref<72x16xf32, #tpu.memory_space<hbm>>
      tpu.enqueue_dma source(%dma_start3A_50 : memref<72x16xf32, #tpu.memory_space<hbm>>) target(%arg7 : memref<72x16xf32, #tpu.memory_space<vmem>>) target_semaphore(%run_scoped3A : memref<!tpu.dma_semaphore, #tpu.memory_space<semaphore_mem>>)
      %dma_wait3A = arith.constant 0 : i32
      %dma_wait3A_51 = tpu.memref_slice %arg3[%sub3A_5, %dma_wait3A] : memref<4096x16xf32, #tpu.memory_space<hbm>> -> memref<72x16xf32, #tpu.memory_space<hbm>>
      %dma_wait3A_52 = arith.constant 0 : i32
      %dma_wait3A_53 = tpu.memref_slice %arg3[%sub3A_5, %dma_wait3A_52] : memref<4096x16xf32, #tpu.memory_space<hbm>> -> memref<72x16xf32, #tpu.memory_space<hbm>>
      tpu.wait_dma2 semaphore(%run_scoped3A : memref<!tpu.dma_semaphore, #tpu.memory_space<semaphore_mem>>) src(%dma_wait3A_53 : memref<72x16xf32, #tpu.memory_space<hbm>>) dst(%arg7 : memref<72x16xf32, #tpu.memory_space<vmem>>)
      tpu.yield
    }) : () -> ()
    %scan3A = arith.constant 0 : i32
    %scan3A_6 = arith.constant 0 : i32
    %scan3A_7 = arith.constant 72 : i32
    %scan3A_8 = arith.addi %scan3A_6, %scan3A_7 : i32
    %scan3A_9 = arith.constant 1 : i32
    %scan3A_10 = scf.for %scan3A_47 = %scan3A_6 to %scan3A_8 step %scan3A_9 iter_args(%scan3A_48 = %scan3A) -> (i32)  : i32 {
      %get3A = arith.index_cast %scan3A_47 : i32 to index
      %get3A_49 = arith.constant 0 : index
      %get3A_50 = tpu.vector_load %arg7[%get3A, %get3A_49] {strides = array<i32>} : memref<72x16xf32, #tpu.memory_space<vmem>>, vector<1x16xf32>,
      %get3A_51 = vector.shape_cast %get3A_50 : vector<1x16xf32> to vector<16xf32>
      %mul3A_52 = arith.constant 1.500000e+00 : f32
      %mul3A_53 = vector.broadcast %mul3A_52 : f32 to vector<16xf32>
      %mul3A_54 = arith.mulf %get3A_51, %mul3A_53 : vector<16xf32>
      %add3A_55 = arith.constant 1.500000e+00 : f32
      %add3A_56 = vector.broadcast %add3A_55 : f32 to vector<16xf32>
      %add3A_57 = arith.addf %get3A_51, %add3A_56 : vector<16xf32>
      %div3A = arith.divf %mul3A_54, %add3A_57 : vector<16xf32>
      %get3A_58 = arith.index_cast %scan3A_47 : i32 to index
      %get3A_59 = arith.constant 0 : index
      %get3A_60 = tpu.vector_load %arg6[%get3A_58, %get3A_59] {strides = array<i32>} : memref<72x16xf32, #tpu.memory_space<vmem>>, vector<1x16xf32>,
      %get3A_61 = vector.shape_cast %get3A_60 : vector<1x16xf32> to vector<16xf32>
      %mul3A_62 = arith.mulf %div3A, %get3A_61 : vector<16xf32>
      %swap3A = arith.index_cast %scan3A_47 : i32 to index
      %swap3A_63 = arith.constant 0 : index
      %swap3A_64 = tpu.vector_load %arg8[%swap3A, %swap3A_63] {strides = array<i32>} : memref<72x16xf32, #tpu.memory_space<vmem>>, vector<1x16xf32>,
      %swap3A_65 = vector.shape_cast %swap3A_64 : vector<1x16xf32> to vector<16xf32>
      %swap3A_66 = vector.shape_cast %mul3A_62 : vector<16xf32> to vector<1x16xf32>
      tpu.vector_store %arg8[%swap3A, %swap3A_63], %swap3A_66 {strides = array<i32>} : memref<72x16xf32, #tpu.memory_space<vmem>>, vector<1x16xf32>,
      %scan3A_67 = arith.constant 0 : i32
      scf.yield %scan3A_67 : i32
    }
    %scan3A_11 = arith.constant 72 : i32
    %scan3A_12 = arith.constant 0 : i32
    %scan3A_13 = arith.constant 0 : i32
    %scan3A_14 = arith.constant 320 : i32
    %scan3A_15 = arith.addi %scan3A_13, %scan3A_14 : i32
    %scan3A_16 = arith.constant 1 : i32
    %scan3A_17 = scf.for %scan3A_47 = %scan3A_13 to %scan3A_15 step %scan3A_16 iter_args(%scan3A_48 = %scan3A_12) -> (i32)  : i32 {
      %broadcast_in_dim3A = arith.constant 0.000000e+00 : f32
      %broadcast_in_dim3A_49 = vector.broadcast %broadcast_in_dim3A : f32 to vector<16xf32>
      %mul3A_50 = arith.constant 16 : i32
      %mul3A_51 = arith.muli %scan3A_47, %mul3A_50 : i32
      %swap3A = arith.index_cast %mul3A_51 : i32 to index
      %swap3A_52 = tpu.vector_load %arg11[%swap3A] {strides = array<i32>} : memref<5120xf32, #tpu.memory_space<vmem>>, vector<16xf32>,
      %swap3A_53 = vector.shape_cast %swap3A_52 : vector<16xf32> to vector<16xf32>
      %swap3A_54 = vector.shape_cast %broadcast_in_dim3A_49 : vector<16xf32> to vector<16xf32>
      tpu.vector_store %arg11[%swap3A], %swap3A_54 {strides = array<i32>} : memref<5120xf32, #tpu.memory_space<vmem>>, vector<16xf32>,
      %scan3A_55 = arith.constant 0 : i32
      scf.yield %scan3A_55 : i32
    }
    %scan3A_18 = arith.constant 320 : i32
    %dma_start3A = arith.constant 0 : i32
    %dma_start3A_19 = arith.constant 0 : i32
    %dma_start3A_20 = tpu.memref_slice %arg4[%sub3A_5, %dma_start3A, %dma_start3A_19] : memref<4096x16x512xf32, #tpu.memory_space<hbm>> -> memref<4x16x512xf32, #tpu.memory_space<hbm>>
    %dma_start3A_21 = arith.constant 0 : i32
    %dma_start3A_22 = arith.constant 0 : i32
    %dma_start3A_23 = tpu.memref_slice %arg4[%sub3A_5, %dma_start3A_21, %dma_start3A_22] : memref<4096x16x512xf32, #tpu.memory_space<hbm>> -> memref<4x16x512xf32, #tpu.memory_space<hbm>>
    tpu.enqueue_dma source(%dma_start3A_23 : memref<4x16x512xf32, #tpu.memory_space<hbm>>) target(%arg9 : memref<4x16x512xf32, #tpu.memory_space<vmem>>) target_semaphore(%arg12 : memref<!tpu.dma_semaphore, #tpu.memory_space<semaphore_mem>>)
    %add3A_24 = arith.constant 4 : i32
    %add3A_25 = arith.addi %sub3A_5, %add3A_24 : i32
    %dma_start3A_26 = arith.constant 0 : i32
    %dma_start3A_27 = arith.constant 0 : i32
    %dma_start3A_28 = tpu.memref_slice %arg4[%add3A_25, %dma_start3A_26, %dma_start3A_27] : memref<4096x16x512xf32, #tpu.memory_space<hbm>> -> memref<4x16x512xf32, #tpu.memory_space<hbm>>
    %dma_start3A_29 = arith.constant 0 : i32
    %dma_start3A_30 = arith.constant 0 : i32
    %dma_start3A_31 = tpu.memref_slice %arg4[%add3A_25, %dma_start3A_29, %dma_start3A_30] : memref<4096x16x512xf32, #tpu.memory_space<hbm>> -> memref<4x16x512xf32, #tpu.memory_space<hbm>>
    tpu.enqueue_dma source(%dma_start3A_31 : memref<4x16x512xf32, #tpu.memory_space<hbm>>) target(%arg10 : memref<4x16x512xf32, #tpu.memory_space<vmem>>) target_semaphore(%arg13 : memref<!tpu.dma_semaphore, #tpu.memory_space<semaphore_mem>>)
    %add3A_32 = arith.constant 72 : i32
    %add3A_33 = arith.addi %sub3A_5, %add3A_32 : i32
    %scan3A_34 = arith.constant 0 : i32
    %scan3A_35 = arith.constant 0 : i32
    %scan3A_36 = arith.constant 9 : i32
    %scan3A_37 = arith.addi %scan3A_35, %scan3A_36 : i32
    %scan3A_38 = arith.constant 1 : i32
    %scan3A_39 = scf.for %scan3A_47 = %scan3A_35 to %scan3A_37 step %scan3A_38 iter_args(%scan3A_48 = %scan3A_34) -> (i32)  : i32 {
      %mul3A_49 = arith.constant 2 : i32
      %mul3A_50 = arith.muli %mul3A_49, %scan3A_47 : i32
      %mul3A_51 = arith.constant 4 : i32
      %mul3A_52 = arith.muli %mul3A_50, %mul3A_51 : i32
      %add3A_53 = arith.addi %sub3A_5, %mul3A_52 : i32
      %dma_wait3A = arith.constant 0 : i32
      %dma_wait3A_54 = arith.constant 0 : i32
      %dma_wait3A_55 = tpu.memref_slice %arg4[%add3A_53, %dma_wait3A, %dma_wait3A_54] : memref<4096x16x512xf32, #tpu.memory_space<hbm>> -> memref<4x16x512xf32, #tpu.memory_space<hbm>>
      %dma_wait3A_56 = arith.constant 0 : i32
      %dma_wait3A_57 = arith.constant 0 : i32
      %dma_wait3A_58 = tpu.memref_slice %arg4[%add3A_53, %dma_wait3A_56, %dma_wait3A_57] : memref<4096x16x512xf32, #tpu.memory_space<hbm>> -> memref<4x16x512xf32, #tpu.memory_space<hbm>>
      tpu.wait_dma2 semaphore(%arg12 : memref<!tpu.dma_semaphore, #tpu.memory_space<semaphore_mem>>) src(%dma_wait3A_58 : memref<4x16x512xf32, #tpu.memory_space<hbm>>) dst(%arg9 : memref<4x16x512xf32, #tpu.memory_space<vmem>>)
      %scan3A_59 = arith.constant 0 : i32
      %scan3A_60 = arith.constant 0 : i32
      %scan3A_61 = arith.constant 4 : i32
      %scan3A_62 = arith.addi %scan3A_60, %scan3A_61 : i32
      %scan3A_63 = arith.constant 1 : i32
      %scan3A_64 = scf.for %scan3A_93 = %scan3A_60 to %scan3A_62 step %scan3A_63 iter_args(%scan3A_94 = %scan3A_59) -> (i32)  : i32 {
        %add3A_95 = arith.addi %add3A_53, %scan3A_93 : i32
        %sub3A_96 = arith.subi %add3A_95, %sub3A_5 : i32
        %mul3A_97 = arith.constant 64 : i32
        %mul3A_98 = arith.muli %sub3A_96, %mul3A_97 : i32
        %get3A = arith.index_cast %sub3A_96 : i32 to index
        %get3A_99 = arith.constant 0 : index
        %get3A_100 = tpu.vector_load %arg8[%get3A, %get3A_99] {strides = array<i32>} : memref<72x16xf32, #tpu.memory_space<vmem>>, vector<1x16xf32>,
        %get3A_101 = vector.shape_cast %get3A_100 : vector<1x16xf32> to vector<16xf32>
        %broadcast_in_dim3A = arith.constant 0.000000e+00 : f32
        %broadcast_in_dim3A_102 = vector.broadcast %broadcast_in_dim3A : f32 to vector<16xf32>
        %scan3A_103 = arith.constant 0 : i32
        %scan3A_104 = arith.constant 16 : i32
        %scan3A_105 = arith.addi %scan3A_103, %scan3A_104 : i32
        %scan3A_106 = arith.constant 1 : i32
        %scan3A_107:16 = scf.for %scan3A_371 = %scan3A_103 to %scan3A_105 step %scan3A_106 iter_args(%scan3A_372 = %broadcast_in_dim3A_102, %scan3A_373 = %broadcast_in_dim3A_102, %scan3A_374 = %broadcast_in_dim3A_102, %scan3A_375 = %broadcast_in_dim3A_102, %scan3A_376 = %broadcast_in_dim3A_102, %scan3A_377 = %broadcast_in_dim3A_102, %scan3A_378 = %broadcast_in_dim3A_102, %scan3A_379 = %broadcast_in_dim3A_102, %scan3A_380 = %broadcast_in_dim3A_102, %scan3A_381 = %broadcast_in_dim3A_102, %scan3A_382 = %broadcast_in_dim3A_102, %scan3A_383 = %broadcast_in_dim3A_102, %scan3A_384 = %broadcast_in_dim3A_102, %scan3A_385 = %broadcast_in_dim3A_102, %scan3A_386 = %broadcast_in_dim3A_102, %scan3A_387 = %broadcast_in_dim3A_102) -> (vector<16xf32>, vector<16xf32>, vector<16xf32>, vector<16xf32>, vector<16xf32>, vector<16xf32>, vector<16xf32>, vector<16xf32>, vector<16xf32>, vector<16xf32>, vector<16xf32>, vector<16xf32>, vector<16xf32>, vector<16xf32>, vector<16xf32>, vector<16xf32>)  : i32 {
          %broadcast_in_dim3A_388 = vector.broadcast %scan3A_371 : i32 to vector<16xi32>
          %lt3A_389 = arith.constant 0 : i32
          %lt3A_390 = vector.broadcast %lt3A_389 : i32 to vector<16xi32>
          %lt3A_391 = arith.cmpi slt, %broadcast_in_dim3A_388, %lt3A_390 : vector<16xi32>
          %add3A_392 = arith.constant 16 : i32
          %add3A_393 = vector.broadcast %add3A_392 : i32 to vector<16xi32>
          %add3A_394 = arith.addi %broadcast_in_dim3A_388, %add3A_393 : vector<16xi32>
          %select_n3A = arith.select %lt3A_391, %add3A_394, %broadcast_in_dim3A_388 : vector<16xi1>, vector<16xi32>
          %broadcast_in_dim3A_395 = vector.shape_cast %select_n3A : vector<16xi32> to vector<16x1xi32>
          %gather3A = vector.shape_cast %broadcast_in_dim3A_395 : vector<16x1xi32> to vector<16xi32>
          %gather3A_396 = tpu.dynamic_gather %get3A_101[%gather3A] in [0] : vector<16xf32>, vector<16xi32> -> vector<16xf32>
          %get3A_397 = arith.index_cast %scan3A_93 : i32 to index
          %get3A_398 = arith.index_cast %scan3A_371 : i32 to index
          %get3A_399 = arith.constant 0 : index
          %get3A_400 = tpu.vector_load %arg9[%get3A_397, %get3A_398, %get3A_399] {strides = array<i32>} : memref<4x16x512xf32, #tpu.memory_space<vmem>>, vector<1x1x16xf32>,
          %get3A_401 = vector.shape_cast %get3A_400 : vector<1x1x16xf32> to vector<16xf32>
          %mul3A_402 = arith.mulf %gather3A_396, %get3A_401 : vector<16xf32>
          %add3A_403 = arith.addf %scan3A_372, %mul3A_402 : vector<16xf32>
          %get3A_404 = arith.index_cast %scan3A_93 : i32 to index
          %get3A_405 = arith.index_cast %scan3A_371 : i32 to index
          %get3A_406 = arith.constant 16 : index
          %get3A_407 = tpu.vector_load %arg9[%get3A_404, %get3A_405, %get3A_406] {strides = array<i32>} : memref<4x16x512xf32, #tpu.memory_space<vmem>>, vector<1x1x16xf32>,
          %get3A_408 = vector.shape_cast %get3A_407 : vector<1x1x16xf32> to vector<16xf32>
          %mul3A_409 = arith.mulf %gather3A_396, %get3A_408 : vector<16xf32>
          %add3A_410 = arith.addf %scan3A_373, %mul3A_409 : vector<16xf32>
          %get3A_411 = arith.index_cast %scan3A_93 : i32 to index
          %get3A_412 = arith.index_cast %scan3A_371 : i32 to index
          %get3A_413 = arith.constant 32 : index
          %get3A_414 = tpu.vector_load %arg9[%get3A_411, %get3A_412, %get3A_413] {strides = array<i32>} : memref<4x16x512xf32, #tpu.memory_space<vmem>>, vector<1x1x16xf32>,
          %get3A_415 = vector.shape_cast %get3A_414 : vector<1x1x16xf32> to vector<16xf32>
          %mul3A_416 = arith.mulf %gather3A_396, %get3A_415 : vector<16xf32>
          %add3A_417 = arith.addf %scan3A_374, %mul3A_416 : vector<16xf32>
          %get3A_418 = arith.index_cast %scan3A_93 : i32 to index
          %get3A_419 = arith.index_cast %scan3A_371 : i32 to index
          %get3A_420 = arith.constant 48 : index
          %get3A_421 = tpu.vector_load %arg9[%get3A_418, %get3A_419, %get3A_420] {strides = array<i32>} : memref<4x16x512xf32, #tpu.memory_space<vmem>>, vector<1x1x16xf32>,
          %get3A_422 = vector.shape_cast %get3A_421 : vector<1x1x16xf32> to vector<16xf32>
          %mul3A_423 = arith.mulf %gather3A_396, %get3A_422 : vector<16xf32>
          %add3A_424 = arith.addf %scan3A_375, %mul3A_423 : vector<16xf32>
          %get3A_425 = arith.index_cast %scan3A_93 : i32 to index
          %get3A_426 = arith.index_cast %scan3A_371 : i32 to index
          %get3A_427 = arith.constant 64 : index
          %get3A_428 = tpu.vector_load %arg9[%get3A_425, %get3A_426, %get3A_427] {strides = array<i32>} : memref<4x16x512xf32, #tpu.memory_space<vmem>>, vector<1x1x16xf32>,
          %get3A_429 = vector.shape_cast %get3A_428 : vector<1x1x16xf32> to vector<16xf32>
          %mul3A_430 = arith.mulf %gather3A_396, %get3A_429 : vector<16xf32>
          %add3A_431 = arith.addf %scan3A_376, %mul3A_430 : vector<16xf32>
          %get3A_432 = arith.index_cast %scan3A_93 : i32 to index
          %get3A_433 = arith.index_cast %scan3A_371 : i32 to index
          %get3A_434 = arith.constant 80 : index
          %get3A_435 = tpu.vector_load %arg9[%get3A_432, %get3A_433, %get3A_434] {strides = array<i32>} : memref<4x16x512xf32, #tpu.memory_space<vmem>>, vector<1x1x16xf32>,
          %get3A_436 = vector.shape_cast %get3A_435 : vector<1x1x16xf32> to vector<16xf32>
          %mul3A_437 = arith.mulf %gather3A_396, %get3A_436 : vector<16xf32>
          %add3A_438 = arith.addf %scan3A_377, %mul3A_437 : vector<16xf32>
          %get3A_439 = arith.index_cast %scan3A_93 : i32 to index
          %get3A_440 = arith.index_cast %scan3A_371 : i32 to index
          %get3A_441 = arith.constant 96 : index
          %get3A_442 = tpu.vector_load %arg9[%get3A_439, %get3A_440, %get3A_441] {strides = array<i32>} : memref<4x16x512xf32, #tpu.memory_space<vmem>>, vector<1x1x16xf32>,
          %get3A_443 = vector.shape_cast %get3A_442 : vector<1x1x16xf32> to vector<16xf32>
          %mul3A_444 = arith.mulf %gather3A_396, %get3A_443 : vector<16xf32>
          %add3A_445 = arith.addf %scan3A_378, %mul3A_444 : vector<16xf32>
          %get3A_446 = arith.index_cast %scan3A_93 : i32 to index
          %get3A_447 = arith.index_cast %scan3A_371 : i32 to index
          %get3A_448 = arith.constant 112 : index
          %get3A_449 = tpu.vector_load %arg9[%get3A_446, %get3A_447, %get3A_448] {strides = array<i32>} : memref<4x16x512xf32, #tpu.memory_space<vmem>>, vector<1x1x16xf32>,
          %get3A_450 = vector.shape_cast %get3A_449 : vector<1x1x16xf32> to vector<16xf32>
          %mul3A_451 = arith.mulf %gather3A_396, %get3A_450 : vector<16xf32>
          %add3A_452 = arith.addf %scan3A_379, %mul3A_451 : vector<16xf32>
          %get3A_453 = arith.index_cast %scan3A_93 : i32 to index
          %get3A_454 = arith.index_cast %scan3A_371 : i32 to index
          %get3A_455 = arith.constant 128 : index
          %get3A_456 = tpu.vector_load %arg9[%get3A_453, %get3A_454, %get3A_455] {strides = array<i32>} : memref<4x16x512xf32, #tpu.memory_space<vmem>>, vector<1x1x16xf32>,
          %get3A_457 = vector.shape_cast %get3A_456 : vector<1x1x16xf32> to vector<16xf32>
          %mul3A_458 = arith.mulf %gather3A_396, %get3A_457 : vector<16xf32>
          %add3A_459 = arith.addf %scan3A_380, %mul3A_458 : vector<16xf32>
          %get3A_460 = arith.index_cast %scan3A_93 : i32 to index
          %get3A_461 = arith.index_cast %scan3A_371 : i32 to index
          %get3A_462 = arith.constant 144 : index
          %get3A_463 = tpu.vector_load %arg9[%get3A_460, %get3A_461, %get3A_462] {strides = array<i32>} : memref<4x16x512xf32, #tpu.memory_space<vmem>>, vector<1x1x16xf32>,
          %get3A_464 = vector.shape_cast %get3A_463 : vector<1x1x16xf32> to vector<16xf32>
          %mul3A_465 = arith.mulf %gather3A_396, %get3A_464 : vector<16xf32>
          %add3A_466 = arith.addf %scan3A_381, %mul3A_465 : vector<16xf32>
          %get3A_467 = arith.index_cast %scan3A_93 : i32 to index
          %get3A_468 = arith.index_cast %scan3A_371 : i32 to index
          %get3A_469 = arith.constant 160 : index
          %get3A_470 = tpu.vector_load %arg9[%get3A_467, %get3A_468, %get3A_469] {strides = array<i32>} : memref<4x16x512xf32, #tpu.memory_space<vmem>>, vector<1x1x16xf32>,
          %get3A_471 = vector.shape_cast %get3A_470 : vector<1x1x16xf32> to vector<16xf32>
          %mul3A_472 = arith.mulf %gather3A_396, %get3A_471 : vector<16xf32>
          %add3A_473 = arith.addf %scan3A_382, %mul3A_472 : vector<16xf32>
          %get3A_474 = arith.index_cast %scan3A_93 : i32 to index
          %get3A_475 = arith.index_cast %scan3A_371 : i32 to index
          %get3A_476 = arith.constant 176 : index
          %get3A_477 = tpu.vector_load %arg9[%get3A_474, %get3A_475, %get3A_476] {strides = array<i32>} : memref<4x16x512xf32, #tpu.memory_space<vmem>>, vector<1x1x16xf32>,
          %get3A_478 = vector.shape_cast %get3A_477 : vector<1x1x16xf32> to vector<16xf32>
          %mul3A_479 = arith.mulf %gather3A_396, %get3A_478 : vector<16xf32>
          %add3A_480 = arith.addf %scan3A_383, %mul3A_479 : vector<16xf32>
          %get3A_481 = arith.index_cast %scan3A_93 : i32 to index
          %get3A_482 = arith.index_cast %scan3A_371 : i32 to index
          %get3A_483 = arith.constant 192 : index
          %get3A_484 = tpu.vector_load %arg9[%get3A_481, %get3A_482, %get3A_483] {strides = array<i32>} : memref<4x16x512xf32, #tpu.memory_space<vmem>>, vector<1x1x16xf32>,
          %get3A_485 = vector.shape_cast %get3A_484 : vector<1x1x16xf32> to vector<16xf32>
          %mul3A_486 = arith.mulf %gather3A_396, %get3A_485 : vector<16xf32>
          %add3A_487 = arith.addf %scan3A_384, %mul3A_486 : vector<16xf32>
          %get3A_488 = arith.index_cast %scan3A_93 : i32 to index
          %get3A_489 = arith.index_cast %scan3A_371 : i32 to index
          %get3A_490 = arith.constant 208 : index
          %get3A_491 = tpu.vector_load %arg9[%get3A_488, %get3A_489, %get3A_490] {strides = array<i32>} : memref<4x16x512xf32, #tpu.memory_space<vmem>>, vector<1x1x16xf32>,
          %get3A_492 = vector.shape_cast %get3A_491 : vector<1x1x16xf32> to vector<16xf32>
          %mul3A_493 = arith.mulf %gather3A_396, %get3A_492 : vector<16xf32>
          %add3A_494 = arith.addf %scan3A_385, %mul3A_493 : vector<16xf32>
          %get3A_495 = arith.index_cast %scan3A_93 : i32 to index
          %get3A_496 = arith.index_cast %scan3A_371 : i32 to index
          %get3A_497 = arith.constant 224 : index
          %get3A_498 = tpu.vector_load %arg9[%get3A_495, %get3A_496, %get3A_497] {strides = array<i32>} : memref<4x16x512xf32, #tpu.memory_space<vmem>>, vector<1x1x16xf32>,
          %get3A_499 = vector.shape_cast %get3A_498 : vector<1x1x16xf32> to vector<16xf32>
          %mul3A_500 = arith.mulf %gather3A_396, %get3A_499 : vector<16xf32>
          %add3A_501 = arith.addf %scan3A_386, %mul3A_500 : vector<16xf32>
          %get3A_502 = arith.index_cast %scan3A_93 : i32 to index
          %get3A_503 = arith.index_cast %scan3A_371 : i32 to index
          %get3A_504 = arith.constant 240 : index
          %get3A_505 = tpu.vector_load %arg9[%get3A_502, %get3A_503, %get3A_504] {strides = array<i32>} : memref<4x16x512xf32, #tpu.memory_space<vmem>>, vector<1x1x16xf32>,
          %get3A_506 = vector.shape_cast %get3A_505 : vector<1x1x16xf32> to vector<16xf32>
          %mul3A_507 = arith.mulf %gather3A_396, %get3A_506 : vector<16xf32>
          %add3A_508 = arith.addf %scan3A_387, %mul3A_507 : vector<16xf32>
          scf.yield %add3A_403, %add3A_410, %add3A_417, %add3A_424, %add3A_431, %add3A_438, %add3A_445, %add3A_452, %add3A_459, %add3A_466, %add3A_473, %add3A_480, %add3A_487, %add3A_494, %add3A_501, %add3A_508 : vector<16xf32>, vector<16xf32>, vector<16xf32>, vector<16xf32>, vector<16xf32>, vector<16xf32>, vector<16xf32>, vector<16xf32>, vector<16xf32>, vector<16xf32>, vector<16xf32>, vector<16xf32>, vector<16xf32>, vector<16xf32>, vector<16xf32>, vector<16xf32>
        }
        %scan3A_108 = arith.constant 16 : i32
        %add3A_109 = arith.constant 0 : i32
        %add3A_110 = arith.addi %mul3A_98, %add3A_109 : i32
        %add3A_111 = arith.constant 0 : i32
        %add3A_112 = arith.addi %add3A_110, %add3A_111 : i32
        %swap3A = arith.index_cast %add3A_112 : i32 to index
        %swap3A_113 = tpu.vector_load %arg11[%swap3A] {strides = array<i32>} : memref<5120xf32, #tpu.memory_space<vmem>>, vector<16xf32>,
        %swap3A_114 = vector.shape_cast %swap3A_113 : vector<16xf32> to vector<16xf32>
        %swap3A_115 = vector.shape_cast %scan3A_107#0 : vector<16xf32> to vector<16xf32>
        tpu.vector_store %arg11[%swap3A], %swap3A_115 {add = true, strides = array<i32>} : memref<5120xf32, #tpu.memory_space<vmem>>, vector<16xf32>,
        %add3A_116 = arith.constant 0 : i32
        %add3A_117 = arith.addi %mul3A_98, %add3A_116 : i32
        %add3A_118 = arith.constant 16 : i32
        %add3A_119 = arith.addi %add3A_117, %add3A_118 : i32
        %swap3A_120 = arith.index_cast %add3A_119 : i32 to index
        %swap3A_121 = tpu.vector_load %arg11[%swap3A_120] {strides = array<i32>} : memref<5120xf32, #tpu.memory_space<vmem>>, vector<16xf32>,
        %swap3A_122 = vector.shape_cast %swap3A_121 : vector<16xf32> to vector<16xf32>
        %swap3A_123 = vector.shape_cast %scan3A_107#1 : vector<16xf32> to vector<16xf32>
        tpu.vector_store %arg11[%swap3A_120], %swap3A_123 {add = true, strides = array<i32>} : memref<5120xf32, #tpu.memory_space<vmem>>, vector<16xf32>,
        %add3A_124 = arith.constant 0 : i32
        %add3A_125 = arith.addi %mul3A_98, %add3A_124 : i32
        %add3A_126 = arith.constant 32 : i32
        %add3A_127 = arith.addi %add3A_125, %add3A_126 : i32
        %swap3A_128 = arith.index_cast %add3A_127 : i32 to index
        %swap3A_129 = tpu.vector_load %arg11[%swap3A_128] {strides = array<i32>} : memref<5120xf32, #tpu.memory_space<vmem>>, vector<16xf32>,
        %swap3A_130 = vector.shape_cast %swap3A_129 : vector<16xf32> to vector<16xf32>
        %swap3A_131 = vector.shape_cast %scan3A_107#2 : vector<16xf32> to vector<16xf32>
        tpu.vector_store %arg11[%swap3A_128], %swap3A_131 {add = true, strides = array<i32>} : memref<5120xf32, #tpu.memory_space<vmem>>, vector<16xf32>,
        %add3A_132 = arith.constant 0 : i32
        %add3A_133 = arith.addi %mul3A_98, %add3A_132 : i32
        %add3A_134 = arith.constant 48 : i32
        %add3A_135 = arith.addi %add3A_133, %add3A_134 : i32
        %swap3A_136 = arith.index_cast %add3A_135 : i32 to index
        %swap3A_137 = tpu.vector_load %arg11[%swap3A_136] {strides = array<i32>} : memref<5120xf32, #tpu.memory_space<vmem>>, vector<16xf32>,
        %swap3A_138 = vector.shape_cast %swap3A_137 : vector<16xf32> to vector<16xf32>
        %swap3A_139 = vector.shape_cast %scan3A_107#3 : vector<16xf32> to vector<16xf32>
        tpu.vector_store %arg11[%swap3A_136], %swap3A_139 {add = true, strides = array<i32>} : memref<5120xf32, #tpu.memory_space<vmem>>, vector<16xf32>,
        %add3A_140 = arith.constant 0 : i32
        %add3A_141 = arith.addi %mul3A_98, %add3A_140 : i32
        %add3A_142 = arith.constant 64 : i32
        %add3A_143 = arith.addi %add3A_141, %add3A_142 : i32
        %swap3A_144 = arith.index_cast %add3A_143 : i32 to index
        %swap3A_145 = tpu.vector_load %arg11[%swap3A_144] {strides = array<i32>} : memref<5120xf32, #tpu.memory_space<vmem>>, vector<16xf32>,
        %swap3A_146 = vector.shape_cast %swap3A_145 : vector<16xf32> to vector<16xf32>
        %swap3A_147 = vector.shape_cast %scan3A_107#4 : vector<16xf32> to vector<16xf32>
        tpu.vector_store %arg11[%swap3A_144], %swap3A_147 {add = true, strides = array<i32>} : memref<5120xf32, #tpu.memory_space<vmem>>, vector<16xf32>,
        %add3A_148 = arith.constant 0 : i32
        %add3A_149 = arith.addi %mul3A_98, %add3A_148 : i32
        %add3A_150 = arith.constant 80 : i32
        %add3A_151 = arith.addi %add3A_149, %add3A_150 : i32
        %swap3A_152 = arith.index_cast %add3A_151 : i32 to index
        %swap3A_153 = tpu.vector_load %arg11[%swap3A_152] {strides = array<i32>} : memref<5120xf32, #tpu.memory_space<vmem>>, vector<16xf32>,
        %swap3A_154 = vector.shape_cast %swap3A_153 : vector<16xf32> to vector<16xf32>
        %swap3A_155 = vector.shape_cast %scan3A_107#5 : vector<16xf32> to vector<16xf32>
        tpu.vector_store %arg11[%swap3A_152], %swap3A_155 {add = true, strides = array<i32>} : memref<5120xf32, #tpu.memory_space<vmem>>, vector<16xf32>,
        %add3A_156 = arith.constant 0 : i32
        %add3A_157 = arith.addi %mul3A_98, %add3A_156 : i32
        %add3A_158 = arith.constant 96 : i32
        %add3A_159 = arith.addi %add3A_157, %add3A_158 : i32
        %swap3A_160 = arith.index_cast %add3A_159 : i32 to index
        %swap3A_161 = tpu.vector_load %arg11[%swap3A_160] {strides = array<i32>} : memref<5120xf32, #tpu.memory_space<vmem>>, vector<16xf32>,
        %swap3A_162 = vector.shape_cast %swap3A_161 : vector<16xf32> to vector<16xf32>
        %swap3A_163 = vector.shape_cast %scan3A_107#6 : vector<16xf32> to vector<16xf32>
        tpu.vector_store %arg11[%swap3A_160], %swap3A_163 {add = true, strides = array<i32>} : memref<5120xf32, #tpu.memory_space<vmem>>, vector<16xf32>,
        %add3A_164 = arith.constant 0 : i32
        %add3A_165 = arith.addi %mul3A_98, %add3A_164 : i32
        %add3A_166 = arith.constant 112 : i32
        %add3A_167 = arith.addi %add3A_165, %add3A_166 : i32
        %swap3A_168 = arith.index_cast %add3A_167 : i32 to index
        %swap3A_169 = tpu.vector_load %arg11[%swap3A_168] {strides = array<i32>} : memref<5120xf32, #tpu.memory_space<vmem>>, vector<16xf32>,
        %swap3A_170 = vector.shape_cast %swap3A_169 : vector<16xf32> to vector<16xf32>
        %swap3A_171 = vector.shape_cast %scan3A_107#7 : vector<16xf32> to vector<16xf32>
        tpu.vector_store %arg11[%swap3A_168], %swap3A_171 {add = true, strides = array<i32>} : memref<5120xf32, #tpu.memory_space<vmem>>, vector<16xf32>,
        %add3A_172 = arith.constant 0 : i32
        %add3A_173 = arith.addi %mul3A_98, %add3A_172 : i32
        %add3A_174 = arith.constant 128 : i32
        %add3A_175 = arith.addi %add3A_173, %add3A_174 : i32
        %swap3A_176 = arith.index_cast %add3A_175 : i32 to index
        %swap3A_177 = tpu.vector_load %arg11[%swap3A_176] {strides = array<i32>} : memref<5120xf32, #tpu.memory_space<vmem>>, vector<16xf32>,
        %swap3A_178 = vector.shape_cast %swap3A_177 : vector<16xf32> to vector<16xf32>
        %swap3A_179 = vector.shape_cast %scan3A_107#8 : vector<16xf32> to vector<16xf32>
        tpu.vector_store %arg11[%swap3A_176], %swap3A_179 {add = true, strides = array<i32>} : memref<5120xf32, #tpu.memory_space<vmem>>, vector<16xf32>,
        %add3A_180 = arith.constant 0 : i32
        %add3A_181 = arith.addi %mul3A_98, %add3A_180 : i32
        %add3A_182 = arith.constant 144 : i32
        %add3A_183 = arith.addi %add3A_181, %add3A_182 : i32
        %swap3A_184 = arith.index_cast %add3A_183 : i32 to index
        %swap3A_185 = tpu.vector_load %arg11[%swap3A_184] {strides = array<i32>} : memref<5120xf32, #tpu.memory_space<vmem>>, vector<16xf32>,
        %swap3A_186 = vector.shape_cast %swap3A_185 : vector<16xf32> to vector<16xf32>
        %swap3A_187 = vector.shape_cast %scan3A_107#9 : vector<16xf32> to vector<16xf32>
        tpu.vector_store %arg11[%swap3A_184], %swap3A_187 {add = true, strides = array<i32>} : memref<5120xf32, #tpu.memory_space<vmem>>, vector<16xf32>,
        %add3A_188 = arith.constant 0 : i32
        %add3A_189 = arith.addi %mul3A_98, %add3A_188 : i32
        %add3A_190 = arith.constant 160 : i32
        %add3A_191 = arith.addi %add3A_189, %add3A_190 : i32
        %swap3A_192 = arith.index_cast %add3A_191 : i32 to index
        %swap3A_193 = tpu.vector_load %arg11[%swap3A_192] {strides = array<i32>} : memref<5120xf32, #tpu.memory_space<vmem>>, vector<16xf32>,
        %swap3A_194 = vector.shape_cast %swap3A_193 : vector<16xf32> to vector<16xf32>
        %swap3A_195 = vector.shape_cast %scan3A_107#10 : vector<16xf32> to vector<16xf32>
        tpu.vector_store %arg11[%swap3A_192], %swap3A_195 {add = true, strides = array<i32>} : memref<5120xf32, #tpu.memory_space<vmem>>, vector<16xf32>,
        %add3A_196 = arith.constant 0 : i32
        %add3A_197 = arith.addi %mul3A_98, %add3A_196 : i32
        %add3A_198 = arith.constant 176 : i32
        %add3A_199 = arith.addi %add3A_197, %add3A_198 : i32
        %swap3A_200 = arith.index_cast %add3A_199 : i32 to index
        %swap3A_201 = tpu.vector_load %arg11[%swap3A_200] {strides = array<i32>} : memref<5120xf32, #tpu.memory_space<vmem>>, vector<16xf32>,
        %swap3A_202 = vector.shape_cast %swap3A_201 : vector<16xf32> to vector<16xf32>
        %swap3A_203 = vector.shape_cast %scan3A_107#11 : vector<16xf32> to vector<16xf32>
        tpu.vector_store %arg11[%swap3A_200], %swap3A_203 {add = true, strides = array<i32>} : memref<5120xf32, #tpu.memory_space<vmem>>, vector<16xf32>,
        %add3A_204 = arith.constant 0 : i32
        %add3A_205 = arith.addi %mul3A_98, %add3A_204 : i32
        %add3A_206 = arith.constant 192 : i32
        %add3A_207 = arith.addi %add3A_205, %add3A_206 : i32
        %swap3A_208 = arith.index_cast %add3A_207 : i32 to index
        %swap3A_209 = tpu.vector_load %arg11[%swap3A_208] {strides = array<i32>} : memref<5120xf32, #tpu.memory_space<vmem>>, vector<16xf32>,
        %swap3A_210 = vector.shape_cast %swap3A_209 : vector<16xf32> to vector<16xf32>
        %swap3A_211 = vector.shape_cast %scan3A_107#12 : vector<16xf32> to vector<16xf32>
        tpu.vector_store %arg11[%swap3A_208], %swap3A_211 {add = true, strides = array<i32>} : memref<5120xf32, #tpu.memory_space<vmem>>, vector<16xf32>,
        %add3A_212 = arith.constant 0 : i32
        %add3A_213 = arith.addi %mul3A_98, %add3A_212 : i32
        %add3A_214 = arith.constant 208 : i32
        %add3A_215 = arith.addi %add3A_213, %add3A_214 : i32
        %swap3A_216 = arith.index_cast %add3A_215 : i32 to index
        %swap3A_217 = tpu.vector_load %arg11[%swap3A_216] {strides = array<i32>} : memref<5120xf32, #tpu.memory_space<vmem>>, vector<16xf32>,
        %swap3A_218 = vector.shape_cast %swap3A_217 : vector<16xf32> to vector<16xf32>
        %swap3A_219 = vector.shape_cast %scan3A_107#13 : vector<16xf32> to vector<16xf32>
        tpu.vector_store %arg11[%swap3A_216], %swap3A_219 {add = true, strides = array<i32>} : memref<5120xf32, #tpu.memory_space<vmem>>, vector<16xf32>,
        %add3A_220 = arith.constant 0 : i32
        %add3A_221 = arith.addi %mul3A_98, %add3A_220 : i32
        %add3A_222 = arith.constant 224 : i32
        %add3A_223 = arith.addi %add3A_221, %add3A_222 : i32
        %swap3A_224 = arith.index_cast %add3A_223 : i32 to index
        %swap3A_225 = tpu.vector_load %arg11[%swap3A_224] {strides = array<i32>} : memref<5120xf32, #tpu.memory_space<vmem>>, vector<16xf32>,
        %swap3A_226 = vector.shape_cast %swap3A_225 : vector<16xf32> to vector<16xf32>
        %swap3A_227 = vector.shape_cast %scan3A_107#14 : vector<16xf32> to vector<16xf32>
        tpu.vector_store %arg11[%swap3A_224], %swap3A_227 {add = true, strides = array<i32>} : memref<5120xf32, #tpu.memory_space<vmem>>, vector<16xf32>,
        %add3A_228 = arith.constant 0 : i32
        %add3A_229 = arith.addi %mul3A_98, %add3A_228 : i32
        %add3A_230 = arith.constant 240 : i32
        %add3A_231 = arith.addi %add3A_229, %add3A_230 : i32
        %swap3A_232 = arith.index_cast %add3A_231 : i32 to index
        %swap3A_233 = tpu.vector_load %arg11[%swap3A_232] {strides = array<i32>} : memref<5120xf32, #tpu.memory_space<vmem>>, vector<16xf32>,
        %swap3A_234 = vector.shape_cast %swap3A_233 : vector<16xf32> to vector<16xf32>
        %swap3A_235 = vector.shape_cast %scan3A_107#15 : vector<16xf32> to vector<16xf32>
        tpu.vector_store %arg11[%swap3A_232], %swap3A_235 {add = true, strides = array<i32>} : memref<5120xf32, #tpu.memory_space<vmem>>, vector<16xf32>,
        %scan3A_236 = arith.constant 0 : i32
        %scan3A_237 = arith.constant 16 : i32
        %scan3A_238 = arith.addi %scan3A_236, %scan3A_237 : i32
        %scan3A_239 = arith.constant 1 : i32
        %scan3A_240:16 = scf.for %scan3A_371 = %scan3A_236 to %scan3A_238 step %scan3A_239 iter_args(%scan3A_372 = %broadcast_in_dim3A_102, %scan3A_373 = %broadcast_in_dim3A_102, %scan3A_374 = %broadcast_in_dim3A_102, %scan3A_375 = %broadcast_in_dim3A_102, %scan3A_376 = %broadcast_in_dim3A_102, %scan3A_377 = %broadcast_in_dim3A_102, %scan3A_378 = %broadcast_in_dim3A_102, %scan3A_379 = %broadcast_in_dim3A_102, %scan3A_380 = %broadcast_in_dim3A_102, %scan3A_381 = %broadcast_in_dim3A_102, %scan3A_382 = %broadcast_in_dim3A_102, %scan3A_383 = %broadcast_in_dim3A_102, %scan3A_384 = %broadcast_in_dim3A_102, %scan3A_385 = %broadcast_in_dim3A_102, %scan3A_386 = %broadcast_in_dim3A_102, %scan3A_387 = %broadcast_in_dim3A_102) -> (vector<16xf32>, vector<16xf32>, vector<16xf32>, vector<16xf32>, vector<16xf32>, vector<16xf32>, vector<16xf32>, vector<16xf32>, vector<16xf32>, vector<16xf32>, vector<16xf32>, vector<16xf32>, vector<16xf32>, vector<16xf32>, vector<16xf32>, vector<16xf32>)  : i32 {
          %broadcast_in_dim3A_388 = vector.broadcast %scan3A_371 : i32 to vector<16xi32>
          %lt3A_389 = arith.constant 0 : i32
          %lt3A_390 = vector.broadcast %lt3A_389 : i32 to vector<16xi32>
          %lt3A_391 = arith.cmpi slt, %broadcast_in_dim3A_388, %lt3A_390 : vector<16xi32>
          %add3A_392 = arith.constant 16 : i32
          %add3A_393 = vector.broadcast %add3A_392 : i32 to vector<16xi32>
          %add3A_394 = arith.addi %broadcast_in_dim3A_388, %add3A_393 : vector<16xi32>
          %select_n3A = arith.select %lt3A_391, %add3A_394, %broadcast_in_dim3A_388 : vector<16xi1>, vector<16xi32>
          %broadcast_in_dim3A_395 = vector.shape_cast %select_n3A : vector<16xi32> to vector<16x1xi32>
          %gather3A = vector.shape_cast %broadcast_in_dim3A_395 : vector<16x1xi32> to vector<16xi32>
          %gather3A_396 = tpu.dynamic_gather %get3A_101[%gather3A] in [0] : vector<16xf32>, vector<16xi32> -> vector<16xf32>
          %get3A_397 = arith.index_cast %scan3A_93 : i32 to index
          %get3A_398 = arith.index_cast %scan3A_371 : i32 to index
          %get3A_399 = arith.constant 256 : index
          %get3A_400 = tpu.vector_load %arg9[%get3A_397, %get3A_398, %get3A_399] {strides = array<i32>} : memref<4x16x512xf32, #tpu.memory_space<vmem>>, vector<1x1x16xf32>,
          %get3A_401 = vector.shape_cast %get3A_400 : vector<1x1x16xf32> to vector<16xf32>
          %mul3A_402 = arith.mulf %gather3A_396, %get3A_401 : vector<16xf32>
          %add3A_403 = arith.addf %scan3A_372, %mul3A_402 : vector<16xf32>
          %get3A_404 = arith.index_cast %scan3A_93 : i32 to index
          %get3A_405 = arith.index_cast %scan3A_371 : i32 to index
          %get3A_406 = arith.constant 272 : index
          %get3A_407 = tpu.vector_load %arg9[%get3A_404, %get3A_405, %get3A_406] {strides = array<i32>} : memref<4x16x512xf32, #tpu.memory_space<vmem>>, vector<1x1x16xf32>,
          %get3A_408 = vector.shape_cast %get3A_407 : vector<1x1x16xf32> to vector<16xf32>
          %mul3A_409 = arith.mulf %gather3A_396, %get3A_408 : vector<16xf32>
          %add3A_410 = arith.addf %scan3A_373, %mul3A_409 : vector<16xf32>
          %get3A_411 = arith.index_cast %scan3A_93 : i32 to index
          %get3A_412 = arith.index_cast %scan3A_371 : i32 to index
          %get3A_413 = arith.constant 288 : index
          %get3A_414 = tpu.vector_load %arg9[%get3A_411, %get3A_412, %get3A_413] {strides = array<i32>} : memref<4x16x512xf32, #tpu.memory_space<vmem>>, vector<1x1x16xf32>,
          %get3A_415 = vector.shape_cast %get3A_414 : vector<1x1x16xf32> to vector<16xf32>
          %mul3A_416 = arith.mulf %gather3A_396, %get3A_415 : vector<16xf32>
          %add3A_417 = arith.addf %scan3A_374, %mul3A_416 : vector<16xf32>
          %get3A_418 = arith.index_cast %scan3A_93 : i32 to index
          %get3A_419 = arith.index_cast %scan3A_371 : i32 to index
          %get3A_420 = arith.constant 304 : index
          %get3A_421 = tpu.vector_load %arg9[%get3A_418, %get3A_419, %get3A_420] {strides = array<i32>} : memref<4x16x512xf32, #tpu.memory_space<vmem>>, vector<1x1x16xf32>,
          %get3A_422 = vector.shape_cast %get3A_421 : vector<1x1x16xf32> to vector<16xf32>
          %mul3A_423 = arith.mulf %gather3A_396, %get3A_422 : vector<16xf32>
          %add3A_424 = arith.addf %scan3A_375, %mul3A_423 : vector<16xf32>
          %get3A_425 = arith.index_cast %scan3A_93 : i32 to index
          %get3A_426 = arith.index_cast %scan3A_371 : i32 to index
          %get3A_427 = arith.constant 320 : index
          %get3A_428 = tpu.vector_load %arg9[%get3A_425, %get3A_426, %get3A_427] {strides = array<i32>} : memref<4x16x512xf32, #tpu.memory_space<vmem>>, vector<1x1x16xf32>,
          %get3A_429 = vector.shape_cast %get3A_428 : vector<1x1x16xf32> to vector<16xf32>
          %mul3A_430 = arith.mulf %gather3A_396, %get3A_429 : vector<16xf32>
          %add3A_431 = arith.addf %scan3A_376, %mul3A_430 : vector<16xf32>
          %get3A_432 = arith.index_cast %scan3A_93 : i32 to index
          %get3A_433 = arith.index_cast %scan3A_371 : i32 to index
          %get3A_434 = arith.constant 336 : index
          %get3A_435 = tpu.vector_load %arg9[%get3A_432, %get3A_433, %get3A_434] {strides = array<i32>} : memref<4x16x512xf32, #tpu.memory_space<vmem>>, vector<1x1x16xf32>,
          %get3A_436 = vector.shape_cast %get3A_435 : vector<1x1x16xf32> to vector<16xf32>
          %mul3A_437 = arith.mulf %gather3A_396, %get3A_436 : vector<16xf32>
          %add3A_438 = arith.addf %scan3A_377, %mul3A_437 : vector<16xf32>
          %get3A_439 = arith.index_cast %scan3A_93 : i32 to index
          %get3A_440 = arith.index_cast %scan3A_371 : i32 to index
          %get3A_441 = arith.constant 352 : index
          %get3A_442 = tpu.vector_load %arg9[%get3A_439, %get3A_440, %get3A_441] {strides = array<i32>} : memref<4x16x512xf32, #tpu.memory_space<vmem>>, vector<1x1x16xf32>,
          %get3A_443 = vector.shape_cast %get3A_442 : vector<1x1x16xf32> to vector<16xf32>
          %mul3A_444 = arith.mulf %gather3A_396, %get3A_443 : vector<16xf32>
          %add3A_445 = arith.addf %scan3A_378, %mul3A_444 : vector<16xf32>
          %get3A_446 = arith.index_cast %scan3A_93 : i32 to index
          %get3A_447 = arith.index_cast %scan3A_371 : i32 to index
          %get3A_448 = arith.constant 368 : index
          %get3A_449 = tpu.vector_load %arg9[%get3A_446, %get3A_447, %get3A_448] {strides = array<i32>} : memref<4x16x512xf32, #tpu.memory_space<vmem>>, vector<1x1x16xf32>,
          %get3A_450 = vector.shape_cast %get3A_449 : vector<1x1x16xf32> to vector<16xf32>
          %mul3A_451 = arith.mulf %gather3A_396, %get3A_450 : vector<16xf32>
          %add3A_452 = arith.addf %scan3A_379, %mul3A_451 : vector<16xf32>
          %get3A_453 = arith.index_cast %scan3A_93 : i32 to index
          %get3A_454 = arith.index_cast %scan3A_371 : i32 to index
          %get3A_455 = arith.constant 384 : index
          %get3A_456 = tpu.vector_load %arg9[%get3A_453, %get3A_454, %get3A_455] {strides = array<i32>} : memref<4x16x512xf32, #tpu.memory_space<vmem>>, vector<1x1x16xf32>,
          %get3A_457 = vector.shape_cast %get3A_456 : vector<1x1x16xf32> to vector<16xf32>
          %mul3A_458 = arith.mulf %gather3A_396, %get3A_457 : vector<16xf32>
          %add3A_459 = arith.addf %scan3A_380, %mul3A_458 : vector<16xf32>
          %get3A_460 = arith.index_cast %scan3A_93 : i32 to index
          %get3A_461 = arith.index_cast %scan3A_371 : i32 to index
          %get3A_462 = arith.constant 400 : index
          %get3A_463 = tpu.vector_load %arg9[%get3A_460, %get3A_461, %get3A_462] {strides = array<i32>} : memref<4x16x512xf32, #tpu.memory_space<vmem>>, vector<1x1x16xf32>,
          %get3A_464 = vector.shape_cast %get3A_463 : vector<1x1x16xf32> to vector<16xf32>
          %mul3A_465 = arith.mulf %gather3A_396, %get3A_464 : vector<16xf32>
          %add3A_466 = arith.addf %scan3A_381, %mul3A_465 : vector<16xf32>
          %get3A_467 = arith.index_cast %scan3A_93 : i32 to index
          %get3A_468 = arith.index_cast %scan3A_371 : i32 to index
          %get3A_469 = arith.constant 416 : index
          %get3A_470 = tpu.vector_load %arg9[%get3A_467, %get3A_468, %get3A_469] {strides = array<i32>} : memref<4x16x512xf32, #tpu.memory_space<vmem>>, vector<1x1x16xf32>,
          %get3A_471 = vector.shape_cast %get3A_470 : vector<1x1x16xf32> to vector<16xf32>
          %mul3A_472 = arith.mulf %gather3A_396, %get3A_471 : vector<16xf32>
          %add3A_473 = arith.addf %scan3A_382, %mul3A_472 : vector<16xf32>
          %get3A_474 = arith.index_cast %scan3A_93 : i32 to index
          %get3A_475 = arith.index_cast %scan3A_371 : i32 to index
          %get3A_476 = arith.constant 432 : index
          %get3A_477 = tpu.vector_load %arg9[%get3A_474, %get3A_475, %get3A_476] {strides = array<i32>} : memref<4x16x512xf32, #tpu.memory_space<vmem>>, vector<1x1x16xf32>,
          %get3A_478 = vector.shape_cast %get3A_477 : vector<1x1x16xf32> to vector<16xf32>
          %mul3A_479 = arith.mulf %gather3A_396, %get3A_478 : vector<16xf32>
          %add3A_480 = arith.addf %scan3A_383, %mul3A_479 : vector<16xf32>
          %get3A_481 = arith.index_cast %scan3A_93 : i32 to index
          %get3A_482 = arith.index_cast %scan3A_371 : i32 to index
          %get3A_483 = arith.constant 448 : index
          %get3A_484 = tpu.vector_load %arg9[%get3A_481, %get3A_482, %get3A_483] {strides = array<i32>} : memref<4x16x512xf32, #tpu.memory_space<vmem>>, vector<1x1x16xf32>,
          %get3A_485 = vector.shape_cast %get3A_484 : vector<1x1x16xf32> to vector<16xf32>
          %mul3A_486 = arith.mulf %gather3A_396, %get3A_485 : vector<16xf32>
          %add3A_487 = arith.addf %scan3A_384, %mul3A_486 : vector<16xf32>
          %get3A_488 = arith.index_cast %scan3A_93 : i32 to index
          %get3A_489 = arith.index_cast %scan3A_371 : i32 to index
          %get3A_490 = arith.constant 464 : index
          %get3A_491 = tpu.vector_load %arg9[%get3A_488, %get3A_489, %get3A_490] {strides = array<i32>} : memref<4x16x512xf32, #tpu.memory_space<vmem>>, vector<1x1x16xf32>,
          %get3A_492 = vector.shape_cast %get3A_491 : vector<1x1x16xf32> to vector<16xf32>
          %mul3A_493 = arith.mulf %gather3A_396, %get3A_492 : vector<16xf32>
          %add3A_494 = arith.addf %scan3A_385, %mul3A_493 : vector<16xf32>
          %get3A_495 = arith.index_cast %scan3A_93 : i32 to index
          %get3A_496 = arith.index_cast %scan3A_371 : i32 to index
          %get3A_497 = arith.constant 480 : index
          %get3A_498 = tpu.vector_load %arg9[%get3A_495, %get3A_496, %get3A_497] {strides = array<i32>} : memref<4x16x512xf32, #tpu.memory_space<vmem>>, vector<1x1x16xf32>,
          %get3A_499 = vector.shape_cast %get3A_498 : vector<1x1x16xf32> to vector<16xf32>
          %mul3A_500 = arith.mulf %gather3A_396, %get3A_499 : vector<16xf32>
          %add3A_501 = arith.addf %scan3A_386, %mul3A_500 : vector<16xf32>
          %get3A_502 = arith.index_cast %scan3A_93 : i32 to index
          %get3A_503 = arith.index_cast %scan3A_371 : i32 to index
          %get3A_504 = arith.constant 496 : index
          %get3A_505 = tpu.vector_load %arg9[%get3A_502, %get3A_503, %get3A_504] {strides = array<i32>} : memref<4x16x512xf32, #tpu.memory_space<vmem>>, vector<1x1x16xf32>,
          %get3A_506 = vector.shape_cast %get3A_505 : vector<1x1x16xf32> to vector<16xf32>
          %mul3A_507 = arith.mulf %gather3A_396, %get3A_506 : vector<16xf32>
          %add3A_508 = arith.addf %scan3A_387, %mul3A_507 : vector<16xf32>
          scf.yield %add3A_403, %add3A_410, %add3A_417, %add3A_424, %add3A_431, %add3A_438, %add3A_445, %add3A_452, %add3A_459, %add3A_466, %add3A_473, %add3A_480, %add3A_487, %add3A_494, %add3A_501, %add3A_508 : vector<16xf32>, vector<16xf32>, vector<16xf32>, vector<16xf32>, vector<16xf32>, vector<16xf32>, vector<16xf32>, vector<16xf32>, vector<16xf32>, vector<16xf32>, vector<16xf32>, vector<16xf32>, vector<16xf32>, vector<16xf32>, vector<16xf32>, vector<16xf32>
        }
        %scan3A_241 = arith.constant 16 : i32
        %add3A_242 = arith.constant 256 : i32
        %add3A_243 = arith.addi %mul3A_98, %add3A_242 : i32
        %add3A_244 = arith.constant 0 : i32
        %add3A_245 = arith.addi %add3A_243, %add3A_244 : i32
        %swap3A_246 = arith.index_cast %add3A_245 : i32 to index
        %swap3A_247 = tpu.vector_load %arg11[%swap3A_246] {strides = array<i32>} : memref<5120xf32, #tpu.memory_space<vmem>>, vector<16xf32>,
        %swap3A_248 = vector.shape_cast %swap3A_247 : vector<16xf32> to vector<16xf32>
        %swap3A_249 = vector.shape_cast %scan3A_240#0 : vector<16xf32> to vector<16xf32>
        tpu.vector_store %arg11[%swap3A_246], %swap3A_249 {add = true, strides = array<i32>} : memref<5120xf32, #tpu.memory_space<vmem>>, vector<16xf32>,
        %add3A_250 = arith.constant 256 : i32
        %add3A_251 = arith.addi %mul3A_98, %add3A_250 : i32
        %add3A_252 = arith.constant 16 : i32
        %add3A_253 = arith.addi %add3A_251, %add3A_252 : i32
        %swap3A_254 = arith.index_cast %add3A_253 : i32 to index
        %swap3A_255 = tpu.vector_load %arg11[%swap3A_254] {strides = array<i32>} : memref<5120xf32, #tpu.memory_space<vmem>>, vector<16xf32>,
        %swap3A_256 = vector.shape_cast %swap3A_255 : vector<16xf32> to vector<16xf32>
        %swap3A_257 = vector.shape_cast %scan3A_240#1 : vector<16xf32> to vector<16xf32>
        tpu.vector_store %arg11[%swap3A_254], %swap3A_257 {add = true, strides = array<i32>} : memref<5120xf32, #tpu.memory_space<vmem>>, vector<16xf32>,
        %add3A_258 = arith.constant 256 : i32
        %add3A_259 = arith.addi %mul3A_98, %add3A_258 : i32
        %add3A_260 = arith.constant 32 : i32
        %add3A_261 = arith.addi %add3A_259, %add3A_260 : i32
        %swap3A_262 = arith.index_cast %add3A_261 : i32 to index
        %swap3A_263 = tpu.vector_load %arg11[%swap3A_262] {strides = array<i32>} : memref<5120xf32, #tpu.memory_space<vmem>>, vector<16xf32>,
        %swap3A_264 = vector.shape_cast %swap3A_263 : vector<16xf32> to vector<16xf32>
        %swap3A_265 = vector.shape_cast %scan3A_240#2 : vector<16xf32> to vector<16xf32>
        tpu.vector_store %arg11[%swap3A_262], %swap3A_265 {add = true, strides = array<i32>} : memref<5120xf32, #tpu.memory_space<vmem>>, vector<16xf32>,
        %add3A_266 = arith.constant 256 : i32
        %add3A_267 = arith.addi %mul3A_98, %add3A_266 : i32
        %add3A_268 = arith.constant 48 : i32
        %add3A_269 = arith.addi %add3A_267, %add3A_268 : i32
        %swap3A_270 = arith.index_cast %add3A_269 : i32 to index
        %swap3A_271 = tpu.vector_load %arg11[%swap3A_270] {strides = array<i32>} : memref<5120xf32, #tpu.memory_space<vmem>>, vector<16xf32>,
        %swap3A_272 = vector.shape_cast %swap3A_271 : vector<16xf32> to vector<16xf32>
        %swap3A_273 = vector.shape_cast %scan3A_240#3 : vector<16xf32> to vector<16xf32>
        tpu.vector_store %arg11[%swap3A_270], %swap3A_273 {add = true, strides = array<i32>} : memref<5120xf32, #tpu.memory_space<vmem>>, vector<16xf32>,
        %add3A_274 = arith.constant 256 : i32
        %add3A_275 = arith.addi %mul3A_98, %add3A_274 : i32
        %add3A_276 = arith.constant 64 : i32
        %add3A_277 = arith.addi %add3A_275, %add3A_276 : i32
        %swap3A_278 = arith.index_cast %add3A_277 : i32 to index
        %swap3A_279 = tpu.vector_load %arg11[%swap3A_278] {strides = array<i32>} : memref<5120xf32, #tpu.memory_space<vmem>>, vector<16xf32>,
        %swap3A_280 = vector.shape_cast %swap3A_279 : vector<16xf32> to vector<16xf32>
        %swap3A_281 = vector.shape_cast %scan3A_240#4 : vector<16xf32> to vector<16xf32>
        tpu.vector_store %arg11[%swap3A_278], %swap3A_281 {add = true, strides = array<i32>} : memref<5120xf32, #tpu.memory_space<vmem>>, vector<16xf32>,
        %add3A_282 = arith.constant 256 : i32
        %add3A_283 = arith.addi %mul3A_98, %add3A_282 : i32
        %add3A_284 = arith.constant 80 : i32
        %add3A_285 = arith.addi %add3A_283, %add3A_284 : i32
        %swap3A_286 = arith.index_cast %add3A_285 : i32 to index
        %swap3A_287 = tpu.vector_load %arg11[%swap3A_286] {strides = array<i32>} : memref<5120xf32, #tpu.memory_space<vmem>>, vector<16xf32>,
        %swap3A_288 = vector.shape_cast %swap3A_287 : vector<16xf32> to vector<16xf32>
        %swap3A_289 = vector.shape_cast %scan3A_240#5 : vector<16xf32> to vector<16xf32>
        tpu.vector_store %arg11[%swap3A_286], %swap3A_289 {add = true, strides = array<i32>} : memref<5120xf32, #tpu.memory_space<vmem>>, vector<16xf32>,
        %add3A_290 = arith.constant 256 : i32
        %add3A_291 = arith.addi %mul3A_98, %add3A_290 : i32
        %add3A_292 = arith.constant 96 : i32
        %add3A_293 = arith.addi %add3A_291, %add3A_292 : i32
        %swap3A_294 = arith.index_cast %add3A_293 : i32 to index
        %swap3A_295 = tpu.vector_load %arg11[%swap3A_294] {strides = array<i32>} : memref<5120xf32, #tpu.memory_space<vmem>>, vector<16xf32>,
        %swap3A_296 = vector.shape_cast %swap3A_295 : vector<16xf32> to vector<16xf32>
        %swap3A_297 = vector.shape_cast %scan3A_240#6 : vector<16xf32> to vector<16xf32>
        tpu.vector_store %arg11[%swap3A_294], %swap3A_297 {add = true, strides = array<i32>} : memref<5120xf32, #tpu.memory_space<vmem>>, vector<16xf32>,
        %add3A_298 = arith.constant 256 : i32
        %add3A_299 = arith.addi %mul3A_98, %add3A_298 : i32
        %add3A_300 = arith.constant 112 : i32
        %add3A_301 = arith.addi %add3A_299, %add3A_300 : i32
        %swap3A_302 = arith.index_cast %add3A_301 : i32 to index
        %swap3A_303 = tpu.vector_load %arg11[%swap3A_302] {strides = array<i32>} : memref<5120xf32, #tpu.memory_space<vmem>>, vector<16xf32>,
        %swap3A_304 = vector.shape_cast %swap3A_303 : vector<16xf32> to vector<16xf32>
        %swap3A_305 = vector.shape_cast %scan3A_240#7 : vector<16xf32> to vector<16xf32>
        tpu.vector_store %arg11[%swap3A_302], %swap3A_305 {add = true, strides = array<i32>} : memref<5120xf32, #tpu.memory_space<vmem>>, vector<16xf32>,
        %add3A_306 = arith.constant 256 : i32
        %add3A_307 = arith.addi %mul3A_98, %add3A_306 : i32
        %add3A_308 = arith.constant 128 : i32
        %add3A_309 = arith.addi %add3A_307, %add3A_308 : i32
        %swap3A_310 = arith.index_cast %add3A_309 : i32 to index
        %swap3A_311 = tpu.vector_load %arg11[%swap3A_310] {strides = array<i32>} : memref<5120xf32, #tpu.memory_space<vmem>>, vector<16xf32>,
        %swap3A_312 = vector.shape_cast %swap3A_311 : vector<16xf32> to vector<16xf32>
        %swap3A_313 = vector.shape_cast %scan3A_240#8 : vector<16xf32> to vector<16xf32>
        tpu.vector_store %arg11[%swap3A_310], %swap3A_313 {add = true, strides = array<i32>} : memref<5120xf32, #tpu.memory_space<vmem>>, vector<16xf32>,
        %add3A_314 = arith.constant 256 : i32
        %add3A_315 = arith.addi %mul3A_98, %add3A_314 : i32
        %add3A_316 = arith.constant 144 : i32
        %add3A_317 = arith.addi %add3A_315, %add3A_316 : i32
        %swap3A_318 = arith.index_cast %add3A_317 : i32 to index
        %swap3A_319 = tpu.vector_load %arg11[%swap3A_318] {strides = array<i32>} : memref<5120xf32, #tpu.memory_space<vmem>>, vector<16xf32>,
        %swap3A_320 = vector.shape_cast %swap3A_319 : vector<16xf32> to vector<16xf32>
        %swap3A_321 = vector.shape_cast %scan3A_240#9 : vector<16xf32> to vector<16xf32>
        tpu.vector_store %arg11[%swap3A_318], %swap3A_321 {add = true, strides = array<i32>} : memref<5120xf32, #tpu.memory_space<vmem>>, vector<16xf32>,
        %add3A_322 = arith.constant 256 : i32
        %add3A_323 = arith.addi %mul3A_98, %add3A_322 : i32
        %add3A_324 = arith.constant 160 : i32
        %add3A_325 = arith.addi %add3A_323, %add3A_324 : i32
        %swap3A_326 = arith.index_cast %add3A_325 : i32 to index
        %swap3A_327 = tpu.vector_load %arg11[%swap3A_326] {strides = array<i32>} : memref<5120xf32, #tpu.memory_space<vmem>>, vector<16xf32>,
        %swap3A_328 = vector.shape_cast %swap3A_327 : vector<16xf32> to vector<16xf32>
        %swap3A_329 = vector.shape_cast %scan3A_240#10 : vector<16xf32> to vector<16xf32>
        tpu.vector_store %arg11[%swap3A_326], %swap3A_329 {add = true, strides = array<i32>} : memref<5120xf32, #tpu.memory_space<vmem>>, vector<16xf32>,
        %add3A_330 = arith.constant 256 : i32
        %add3A_331 = arith.addi %mul3A_98, %add3A_330 : i32
        %add3A_332 = arith.constant 176 : i32
        %add3A_333 = arith.addi %add3A_331, %add3A_332 : i32
        %swap3A_334 = arith.index_cast %add3A_333 : i32 to index
        %swap3A_335 = tpu.vector_load %arg11[%swap3A_334] {strides = array<i32>} : memref<5120xf32, #tpu.memory_space<vmem>>, vector<16xf32>,
        %swap3A_336 = vector.shape_cast %swap3A_335 : vector<16xf32> to vector<16xf32>
        %swap3A_337 = vector.shape_cast %scan3A_240#11 : vector<16xf32> to vector<16xf32>
        tpu.vector_store %arg11[%swap3A_334], %swap3A_337 {add = true, strides = array<i32>} : memref<5120xf32, #tpu.memory_space<vmem>>, vector<16xf32>,
        %add3A_338 = arith.constant 256 : i32
        %add3A_339 = arith.addi %mul3A_98, %add3A_338 : i32
        %add3A_340 = arith.constant 192 : i32
        %add3A_341 = arith.addi %add3A_339, %add3A_340 : i32
        %swap3A_342 = arith.index_cast %add3A_341 : i32 to index
        %swap3A_343 = tpu.vector_load %arg11[%swap3A_342] {strides = array<i32>} : memref<5120xf32, #tpu.memory_space<vmem>>, vector<16xf32>,
        %swap3A_344 = vector.shape_cast %swap3A_343 : vector<16xf32> to vector<16xf32>
        %swap3A_345 = vector.shape_cast %scan3A_240#12 : vector<16xf32> to vector<16xf32>
        tpu.vector_store %arg11[%swap3A_342], %swap3A_345 {add = true, strides = array<i32>} : memref<5120xf32, #tpu.memory_space<vmem>>, vector<16xf32>,
        %add3A_346 = arith.constant 256 : i32
        %add3A_347 = arith.addi %mul3A_98, %add3A_346 : i32
        %add3A_348 = arith.constant 208 : i32
        %add3A_349 = arith.addi %add3A_347, %add3A_348 : i32
        %swap3A_350 = arith.index_cast %add3A_349 : i32 to index
        %swap3A_351 = tpu.vector_load %arg11[%swap3A_350] {strides = array<i32>} : memref<5120xf32, #tpu.memory_space<vmem>>, vector<16xf32>,
        %swap3A_352 = vector.shape_cast %swap3A_351 : vector<16xf32> to vector<16xf32>
        %swap3A_353 = vector.shape_cast %scan3A_240#13 : vector<16xf32> to vector<16xf32>
        tpu.vector_store %arg11[%swap3A_350], %swap3A_353 {add = true, strides = array<i32>} : memref<5120xf32, #tpu.memory_space<vmem>>, vector<16xf32>,
        %add3A_354 = arith.constant 256 : i32
        %add3A_355 = arith.addi %mul3A_98, %add3A_354 : i32
        %add3A_356 = arith.constant 224 : i32
        %add3A_357 = arith.addi %add3A_355, %add3A_356 : i32
        %swap3A_358 = arith.index_cast %add3A_357 : i32 to index
        %swap3A_359 = tpu.vector_load %arg11[%swap3A_358] {strides = array<i32>} : memref<5120xf32, #tpu.memory_space<vmem>>, vector<16xf32>,
        %swap3A_360 = vector.shape_cast %swap3A_359 : vector<16xf32> to vector<16xf32>
        %swap3A_361 = vector.shape_cast %scan3A_240#14 : vector<16xf32> to vector<16xf32>
        tpu.vector_store %arg11[%swap3A_358], %swap3A_361 {add = true, strides = array<i32>} : memref<5120xf32, #tpu.memory_space<vmem>>, vector<16xf32>,
        %add3A_362 = arith.constant 256 : i32
        %add3A_363 = arith.addi %mul3A_98, %add3A_362 : i32
        %add3A_364 = arith.constant 240 : i32
        %add3A_365 = arith.addi %add3A_363, %add3A_364 : i32
        %swap3A_366 = arith.index_cast %add3A_365 : i32 to index
        %swap3A_367 = tpu.vector_load %arg11[%swap3A_366] {strides = array<i32>} : memref<5120xf32, #tpu.memory_space<vmem>>, vector<16xf32>,
        %swap3A_368 = vector.shape_cast %swap3A_367 : vector<16xf32> to vector<16xf32>
        %swap3A_369 = vector.shape_cast %scan3A_240#15 : vector<16xf32> to vector<16xf32>
        tpu.vector_store %arg11[%swap3A_366], %swap3A_369 {add = true, strides = array<i32>} : memref<5120xf32, #tpu.memory_space<vmem>>, vector<16xf32>,
        %scan3A_370 = arith.constant 0 : i32
        scf.yield %scan3A_370 : i32
      }
      %scan3A_65 = arith.constant 4 : i32
      %add3A_66 = arith.constant 8 : i32
      %add3A_67 = arith.addi %add3A_53, %add3A_66 : i32
      %lt3A = arith.cmpi slt, %add3A_67, %add3A_33 : i32
      %convert_element_type3A_68 = arith.extui %lt3A : i1 to i32
      %cond3A_69 = arith.constant 0 : i32
      %cond3A_70 = arith.cmpi ne, %convert_element_type3A_68, %cond3A_69 : i32
      scf.if %cond3A_70 {
        %add3A_93 = arith.constant 8 : i32
        %add3A_94 = arith.addi %add3A_53, %add3A_93 : i32
        %dma_start3A_95 = arith.constant 0 : i32
        %dma_start3A_96 = arith.constant 0 : i32
        %dma_start3A_97 = tpu.memref_slice %arg4[%add3A_94, %dma_start3A_95, %dma_start3A_96] : memref<4096x16x512xf32, #tpu.memory_space<hbm>> -> memref<4x16x512xf32, #tpu.memory_space<hbm>>
        %dma_start3A_98 = arith.constant 0 : i32
        %dma_start3A_99 = arith.constant 0 : i32
        %dma_start3A_100 = tpu.memref_slice %arg4[%add3A_94, %dma_start3A_98, %dma_start3A_99] : memref<4096x16x512xf32, #tpu.memory_space<hbm>> -> memref<4x16x512xf32, #tpu.memory_space<hbm>>
        tpu.enqueue_dma source(%dma_start3A_100 : memref<4x16x512xf32, #tpu.memory_space<hbm>>) target(%arg9 : memref<4x16x512xf32, #tpu.memory_space<vmem>>) target_semaphore(%arg12 : memref<!tpu.dma_semaphore, #tpu.memory_space<semaphore_mem>>)
      } else {
      }
      %add3A_71 = arith.constant 4 : i32
      %add3A_72 = arith.addi %add3A_53, %add3A_71 : i32
      %dma_wait3A_73 = arith.constant 0 : i32
      %dma_wait3A_74 = arith.constant 0 : i32
      %dma_wait3A_75 = tpu.memref_slice %arg4[%add3A_72, %dma_wait3A_73, %dma_wait3A_74] : memref<4096x16x512xf32, #tpu.memory_space<hbm>> -> memref<4x16x512xf32, #tpu.memory_space<hbm>>
      %dma_wait3A_76 = arith.constant 0 : i32
      %dma_wait3A_77 = arith.constant 0 : i32
      %dma_wait3A_78 = tpu.memref_slice %arg4[%add3A_72, %dma_wait3A_76, %dma_wait3A_77] : memref<4096x16x512xf32, #tpu.memory_space<hbm>> -> memref<4x16x512xf32, #tpu.memory_space<hbm>>
      tpu.wait_dma2 semaphore(%arg13 : memref<!tpu.dma_semaphore, #tpu.memory_space<semaphore_mem>>) src(%dma_wait3A_78 : memref<4x16x512xf32, #tpu.memory_space<hbm>>) dst(%arg10 : memref<4x16x512xf32, #tpu.memory_space<vmem>>)
      %scan3A_79 = arith.constant 0 : i32
      %scan3A_80 = arith.constant 0 : i32
      %scan3A_81 = arith.constant 4 : i32
      %scan3A_82 = arith.addi %scan3A_80, %scan3A_81 : i32
      %scan3A_83 = arith.constant 1 : i32
      %scan3A_84 = scf.for %scan3A_93 = %scan3A_80 to %scan3A_82 step %scan3A_83 iter_args(%scan3A_94 = %scan3A_79) -> (i32)  : i32 {
        %add3A_95 = arith.addi %add3A_72, %scan3A_93 : i32
        %sub3A_96 = arith.subi %add3A_95, %sub3A_5 : i32
        %mul3A_97 = arith.constant 64 : i32
        %mul3A_98 = arith.muli %sub3A_96, %mul3A_97 : i32
        %get3A = arith.index_cast %sub3A_96 : i32 to index
        %get3A_99 = arith.constant 0 : index
        %get3A_100 = tpu.vector_load %arg8[%get3A, %get3A_99] {strides = array<i32>} : memref<72x16xf32, #tpu.memory_space<vmem>>, vector<1x16xf32>,
        %get3A_101 = vector.shape_cast %get3A_100 : vector<1x16xf32> to vector<16xf32>
        %broadcast_in_dim3A = arith.constant 0.000000e+00 : f32
        %broadcast_in_dim3A_102 = vector.broadcast %broadcast_in_dim3A : f32 to vector<16xf32>
        %scan3A_103 = arith.constant 0 : i32
        %scan3A_104 = arith.constant 16 : i32
        %scan3A_105 = arith.addi %scan3A_103, %scan3A_104 : i32
        %scan3A_106 = arith.constant 1 : i32
        %scan3A_107:16 = scf.for %scan3A_371 = %scan3A_103 to %scan3A_105 step %scan3A_106 iter_args(%scan3A_372 = %broadcast_in_dim3A_102, %scan3A_373 = %broadcast_in_dim3A_102, %scan3A_374 = %broadcast_in_dim3A_102, %scan3A_375 = %broadcast_in_dim3A_102, %scan3A_376 = %broadcast_in_dim3A_102, %scan3A_377 = %broadcast_in_dim3A_102, %scan3A_378 = %broadcast_in_dim3A_102, %scan3A_379 = %broadcast_in_dim3A_102, %scan3A_380 = %broadcast_in_dim3A_102, %scan3A_381 = %broadcast_in_dim3A_102, %scan3A_382 = %broadcast_in_dim3A_102, %scan3A_383 = %broadcast_in_dim3A_102, %scan3A_384 = %broadcast_in_dim3A_102, %scan3A_385 = %broadcast_in_dim3A_102, %scan3A_386 = %broadcast_in_dim3A_102, %scan3A_387 = %broadcast_in_dim3A_102) -> (vector<16xf32>, vector<16xf32>, vector<16xf32>, vector<16xf32>, vector<16xf32>, vector<16xf32>, vector<16xf32>, vector<16xf32>, vector<16xf32>, vector<16xf32>, vector<16xf32>, vector<16xf32>, vector<16xf32>, vector<16xf32>, vector<16xf32>, vector<16xf32>)  : i32 {
          %broadcast_in_dim3A_388 = vector.broadcast %scan3A_371 : i32 to vector<16xi32>
          %lt3A_389 = arith.constant 0 : i32
          %lt3A_390 = vector.broadcast %lt3A_389 : i32 to vector<16xi32>
          %lt3A_391 = arith.cmpi slt, %broadcast_in_dim3A_388, %lt3A_390 : vector<16xi32>
          %add3A_392 = arith.constant 16 : i32
          %add3A_393 = vector.broadcast %add3A_392 : i32 to vector<16xi32>
          %add3A_394 = arith.addi %broadcast_in_dim3A_388, %add3A_393 : vector<16xi32>
          %select_n3A = arith.select %lt3A_391, %add3A_394, %broadcast_in_dim3A_388 : vector<16xi1>, vector<16xi32>
          %broadcast_in_dim3A_395 = vector.shape_cast %select_n3A : vector<16xi32> to vector<16x1xi32>
          %gather3A = vector.shape_cast %broadcast_in_dim3A_395 : vector<16x1xi32> to vector<16xi32>
          %gather3A_396 = tpu.dynamic_gather %get3A_101[%gather3A] in [0] : vector<16xf32>, vector<16xi32> -> vector<16xf32>
          %get3A_397 = arith.index_cast %scan3A_93 : i32 to index
          %get3A_398 = arith.index_cast %scan3A_371 : i32 to index
          %get3A_399 = arith.constant 0 : index
          %get3A_400 = tpu.vector_load %arg10[%get3A_397, %get3A_398, %get3A_399] {strides = array<i32>} : memref<4x16x512xf32, #tpu.memory_space<vmem>>, vector<1x1x16xf32>,
          %get3A_401 = vector.shape_cast %get3A_400 : vector<1x1x16xf32> to vector<16xf32>
          %mul3A_402 = arith.mulf %gather3A_396, %get3A_401 : vector<16xf32>
          %add3A_403 = arith.addf %scan3A_372, %mul3A_402 : vector<16xf32>
          %get3A_404 = arith.index_cast %scan3A_93 : i32 to index
          %get3A_405 = arith.index_cast %scan3A_371 : i32 to index
          %get3A_406 = arith.constant 16 : index
          %get3A_407 = tpu.vector_load %arg10[%get3A_404, %get3A_405, %get3A_406] {strides = array<i32>} : memref<4x16x512xf32, #tpu.memory_space<vmem>>, vector<1x1x16xf32>,
          %get3A_408 = vector.shape_cast %get3A_407 : vector<1x1x16xf32> to vector<16xf32>
          %mul3A_409 = arith.mulf %gather3A_396, %get3A_408 : vector<16xf32>
          %add3A_410 = arith.addf %scan3A_373, %mul3A_409 : vector<16xf32>
          %get3A_411 = arith.index_cast %scan3A_93 : i32 to index
          %get3A_412 = arith.index_cast %scan3A_371 : i32 to index
          %get3A_413 = arith.constant 32 : index
          %get3A_414 = tpu.vector_load %arg10[%get3A_411, %get3A_412, %get3A_413] {strides = array<i32>} : memref<4x16x512xf32, #tpu.memory_space<vmem>>, vector<1x1x16xf32>,
          %get3A_415 = vector.shape_cast %get3A_414 : vector<1x1x16xf32> to vector<16xf32>
          %mul3A_416 = arith.mulf %gather3A_396, %get3A_415 : vector<16xf32>
          %add3A_417 = arith.addf %scan3A_374, %mul3A_416 : vector<16xf32>
          %get3A_418 = arith.index_cast %scan3A_93 : i32 to index
          %get3A_419 = arith.index_cast %scan3A_371 : i32 to index
          %get3A_420 = arith.constant 48 : index
          %get3A_421 = tpu.vector_load %arg10[%get3A_418, %get3A_419, %get3A_420] {strides = array<i32>} : memref<4x16x512xf32, #tpu.memory_space<vmem>>, vector<1x1x16xf32>,
          %get3A_422 = vector.shape_cast %get3A_421 : vector<1x1x16xf32> to vector<16xf32>
          %mul3A_423 = arith.mulf %gather3A_396, %get3A_422 : vector<16xf32>
          %add3A_424 = arith.addf %scan3A_375, %mul3A_423 : vector<16xf32>
          %get3A_425 = arith.index_cast %scan3A_93 : i32 to index
          %get3A_426 = arith.index_cast %scan3A_371 : i32 to index
          %get3A_427 = arith.constant 64 : index
          %get3A_428 = tpu.vector_load %arg10[%get3A_425, %get3A_426, %get3A_427] {strides = array<i32>} : memref<4x16x512xf32, #tpu.memory_space<vmem>>, vector<1x1x16xf32>,
          %get3A_429 = vector.shape_cast %get3A_428 : vector<1x1x16xf32> to vector<16xf32>
          %mul3A_430 = arith.mulf %gather3A_396, %get3A_429 : vector<16xf32>
          %add3A_431 = arith.addf %scan3A_376, %mul3A_430 : vector<16xf32>
          %get3A_432 = arith.index_cast %scan3A_93 : i32 to index
          %get3A_433 = arith.index_cast %scan3A_371 : i32 to index
          %get3A_434 = arith.constant 80 : index
          %get3A_435 = tpu.vector_load %arg10[%get3A_432, %get3A_433, %get3A_434] {strides = array<i32>} : memref<4x16x512xf32, #tpu.memory_space<vmem>>, vector<1x1x16xf32>,
          %get3A_436 = vector.shape_cast %get3A_435 : vector<1x1x16xf32> to vector<16xf32>
          %mul3A_437 = arith.mulf %gather3A_396, %get3A_436 : vector<16xf32>
          %add3A_438 = arith.addf %scan3A_377, %mul3A_437 : vector<16xf32>
          %get3A_439 = arith.index_cast %scan3A_93 : i32 to index
          %get3A_440 = arith.index_cast %scan3A_371 : i32 to index
          %get3A_441 = arith.constant 96 : index
          %get3A_442 = tpu.vector_load %arg10[%get3A_439, %get3A_440, %get3A_441] {strides = array<i32>} : memref<4x16x512xf32, #tpu.memory_space<vmem>>, vector<1x1x16xf32>,
          %get3A_443 = vector.shape_cast %get3A_442 : vector<1x1x16xf32> to vector<16xf32>
          %mul3A_444 = arith.mulf %gather3A_396, %get3A_443 : vector<16xf32>
          %add3A_445 = arith.addf %scan3A_378, %mul3A_444 : vector<16xf32>
          %get3A_446 = arith.index_cast %scan3A_93 : i32 to index
          %get3A_447 = arith.index_cast %scan3A_371 : i32 to index
          %get3A_448 = arith.constant 112 : index
          %get3A_449 = tpu.vector_load %arg10[%get3A_446, %get3A_447, %get3A_448] {strides = array<i32>} : memref<4x16x512xf32, #tpu.memory_space<vmem>>, vector<1x1x16xf32>,
          %get3A_450 = vector.shape_cast %get3A_449 : vector<1x1x16xf32> to vector<16xf32>
          %mul3A_451 = arith.mulf %gather3A_396, %get3A_450 : vector<16xf32>
          %add3A_452 = arith.addf %scan3A_379, %mul3A_451 : vector<16xf32>
          %get3A_453 = arith.index_cast %scan3A_93 : i32 to index
          %get3A_454 = arith.index_cast %scan3A_371 : i32 to index
          %get3A_455 = arith.constant 128 : index
          %get3A_456 = tpu.vector_load %arg10[%get3A_453, %get3A_454, %get3A_455] {strides = array<i32>} : memref<4x16x512xf32, #tpu.memory_space<vmem>>, vector<1x1x16xf32>,
          %get3A_457 = vector.shape_cast %get3A_456 : vector<1x1x16xf32> to vector<16xf32>
          %mul3A_458 = arith.mulf %gather3A_396, %get3A_457 : vector<16xf32>
          %add3A_459 = arith.addf %scan3A_380, %mul3A_458 : vector<16xf32>
          %get3A_460 = arith.index_cast %scan3A_93 : i32 to index
          %get3A_461 = arith.index_cast %scan3A_371 : i32 to index
          %get3A_462 = arith.constant 144 : index
          %get3A_463 = tpu.vector_load %arg10[%get3A_460, %get3A_461, %get3A_462] {strides = array<i32>} : memref<4x16x512xf32, #tpu.memory_space<vmem>>, vector<1x1x16xf32>,
          %get3A_464 = vector.shape_cast %get3A_463 : vector<1x1x16xf32> to vector<16xf32>
          %mul3A_465 = arith.mulf %gather3A_396, %get3A_464 : vector<16xf32>
          %add3A_466 = arith.addf %scan3A_381, %mul3A_465 : vector<16xf32>
          %get3A_467 = arith.index_cast %scan3A_93 : i32 to index
          %get3A_468 = arith.index_cast %scan3A_371 : i32 to index
          %get3A_469 = arith.constant 160 : index
          %get3A_470 = tpu.vector_load %arg10[%get3A_467, %get3A_468, %get3A_469] {strides = array<i32>} : memref<4x16x512xf32, #tpu.memory_space<vmem>>, vector<1x1x16xf32>,
          %get3A_471 = vector.shape_cast %get3A_470 : vector<1x1x16xf32> to vector<16xf32>
          %mul3A_472 = arith.mulf %gather3A_396, %get3A_471 : vector<16xf32>
          %add3A_473 = arith.addf %scan3A_382, %mul3A_472 : vector<16xf32>
          %get3A_474 = arith.index_cast %scan3A_93 : i32 to index
          %get3A_475 = arith.index_cast %scan3A_371 : i32 to index
          %get3A_476 = arith.constant 176 : index
          %get3A_477 = tpu.vector_load %arg10[%get3A_474, %get3A_475, %get3A_476] {strides = array<i32>} : memref<4x16x512xf32, #tpu.memory_space<vmem>>, vector<1x1x16xf32>,
          %get3A_478 = vector.shape_cast %get3A_477 : vector<1x1x16xf32> to vector<16xf32>
          %mul3A_479 = arith.mulf %gather3A_396, %get3A_478 : vector<16xf32>
          %add3A_480 = arith.addf %scan3A_383, %mul3A_479 : vector<16xf32>
          %get3A_481 = arith.index_cast %scan3A_93 : i32 to index
          %get3A_482 = arith.index_cast %scan3A_371 : i32 to index
          %get3A_483 = arith.constant 192 : index
          %get3A_484 = tpu.vector_load %arg10[%get3A_481, %get3A_482, %get3A_483] {strides = array<i32>} : memref<4x16x512xf32, #tpu.memory_space<vmem>>, vector<1x1x16xf32>,
          %get3A_485 = vector.shape_cast %get3A_484 : vector<1x1x16xf32> to vector<16xf32>
          %mul3A_486 = arith.mulf %gather3A_396, %get3A_485 : vector<16xf32>
          %add3A_487 = arith.addf %scan3A_384, %mul3A_486 : vector<16xf32>
          %get3A_488 = arith.index_cast %scan3A_93 : i32 to index
          %get3A_489 = arith.index_cast %scan3A_371 : i32 to index
          %get3A_490 = arith.constant 208 : index
          %get3A_491 = tpu.vector_load %arg10[%get3A_488, %get3A_489, %get3A_490] {strides = array<i32>} : memref<4x16x512xf32, #tpu.memory_space<vmem>>, vector<1x1x16xf32>,
          %get3A_492 = vector.shape_cast %get3A_491 : vector<1x1x16xf32> to vector<16xf32>
          %mul3A_493 = arith.mulf %gather3A_396, %get3A_492 : vector<16xf32>
          %add3A_494 = arith.addf %scan3A_385, %mul3A_493 : vector<16xf32>
          %get3A_495 = arith.index_cast %scan3A_93 : i32 to index
          %get3A_496 = arith.index_cast %scan3A_371 : i32 to index
          %get3A_497 = arith.constant 224 : index
          %get3A_498 = tpu.vector_load %arg10[%get3A_495, %get3A_496, %get3A_497] {strides = array<i32>} : memref<4x16x512xf32, #tpu.memory_space<vmem>>, vector<1x1x16xf32>,
          %get3A_499 = vector.shape_cast %get3A_498 : vector<1x1x16xf32> to vector<16xf32>
          %mul3A_500 = arith.mulf %gather3A_396, %get3A_499 : vector<16xf32>
          %add3A_501 = arith.addf %scan3A_386, %mul3A_500 : vector<16xf32>
          %get3A_502 = arith.index_cast %scan3A_93 : i32 to index
          %get3A_503 = arith.index_cast %scan3A_371 : i32 to index
          %get3A_504 = arith.constant 240 : index
          %get3A_505 = tpu.vector_load %arg10[%get3A_502, %get3A_503, %get3A_504] {strides = array<i32>} : memref<4x16x512xf32, #tpu.memory_space<vmem>>, vector<1x1x16xf32>,
          %get3A_506 = vector.shape_cast %get3A_505 : vector<1x1x16xf32> to vector<16xf32>
          %mul3A_507 = arith.mulf %gather3A_396, %get3A_506 : vector<16xf32>
          %add3A_508 = arith.addf %scan3A_387, %mul3A_507 : vector<16xf32>
          scf.yield %add3A_403, %add3A_410, %add3A_417, %add3A_424, %add3A_431, %add3A_438, %add3A_445, %add3A_452, %add3A_459, %add3A_466, %add3A_473, %add3A_480, %add3A_487, %add3A_494, %add3A_501, %add3A_508 : vector<16xf32>, vector<16xf32>, vector<16xf32>, vector<16xf32>, vector<16xf32>, vector<16xf32>, vector<16xf32>, vector<16xf32>, vector<16xf32>, vector<16xf32>, vector<16xf32>, vector<16xf32>, vector<16xf32>, vector<16xf32>, vector<16xf32>, vector<16xf32>
        }
        %scan3A_108 = arith.constant 16 : i32
        %add3A_109 = arith.constant 0 : i32
        %add3A_110 = arith.addi %mul3A_98, %add3A_109 : i32
        %add3A_111 = arith.constant 0 : i32
        %add3A_112 = arith.addi %add3A_110, %add3A_111 : i32
        %swap3A = arith.index_cast %add3A_112 : i32 to index
        %swap3A_113 = tpu.vector_load %arg11[%swap3A] {strides = array<i32>} : memref<5120xf32, #tpu.memory_space<vmem>>, vector<16xf32>,
        %swap3A_114 = vector.shape_cast %swap3A_113 : vector<16xf32> to vector<16xf32>
        %swap3A_115 = vector.shape_cast %scan3A_107#0 : vector<16xf32> to vector<16xf32>
        tpu.vector_store %arg11[%swap3A], %swap3A_115 {add = true, strides = array<i32>} : memref<5120xf32, #tpu.memory_space<vmem>>, vector<16xf32>,
        %add3A_116 = arith.constant 0 : i32
        %add3A_117 = arith.addi %mul3A_98, %add3A_116 : i32
        %add3A_118 = arith.constant 16 : i32
        %add3A_119 = arith.addi %add3A_117, %add3A_118 : i32
        %swap3A_120 = arith.index_cast %add3A_119 : i32 to index
        %swap3A_121 = tpu.vector_load %arg11[%swap3A_120] {strides = array<i32>} : memref<5120xf32, #tpu.memory_space<vmem>>, vector<16xf32>,
        %swap3A_122 = vector.shape_cast %swap3A_121 : vector<16xf32> to vector<16xf32>
        %swap3A_123 = vector.shape_cast %scan3A_107#1 : vector<16xf32> to vector<16xf32>
        tpu.vector_store %arg11[%swap3A_120], %swap3A_123 {add = true, strides = array<i32>} : memref<5120xf32, #tpu.memory_space<vmem>>, vector<16xf32>,
        %add3A_124 = arith.constant 0 : i32
        %add3A_125 = arith.addi %mul3A_98, %add3A_124 : i32
        %add3A_126 = arith.constant 32 : i32
        %add3A_127 = arith.addi %add3A_125, %add3A_126 : i32
        %swap3A_128 = arith.index_cast %add3A_127 : i32 to index
        %swap3A_129 = tpu.vector_load %arg11[%swap3A_128] {strides = array<i32>} : memref<5120xf32, #tpu.memory_space<vmem>>, vector<16xf32>,
        %swap3A_130 = vector.shape_cast %swap3A_129 : vector<16xf32> to vector<16xf32>
        %swap3A_131 = vector.shape_cast %scan3A_107#2 : vector<16xf32> to vector<16xf32>
        tpu.vector_store %arg11[%swap3A_128], %swap3A_131 {add = true, strides = array<i32>} : memref<5120xf32, #tpu.memory_space<vmem>>, vector<16xf32>,
        %add3A_132 = arith.constant 0 : i32
        %add3A_133 = arith.addi %mul3A_98, %add3A_132 : i32
        %add3A_134 = arith.constant 48 : i32
        %add3A_135 = arith.addi %add3A_133, %add3A_134 : i32
        %swap3A_136 = arith.index_cast %add3A_135 : i32 to index
        %swap3A_137 = tpu.vector_load %arg11[%swap3A_136] {strides = array<i32>} : memref<5120xf32, #tpu.memory_space<vmem>>, vector<16xf32>,
        %swap3A_138 = vector.shape_cast %swap3A_137 : vector<16xf32> to vector<16xf32>
        %swap3A_139 = vector.shape_cast %scan3A_107#3 : vector<16xf32> to vector<16xf32>
        tpu.vector_store %arg11[%swap3A_136], %swap3A_139 {add = true, strides = array<i32>} : memref<5120xf32, #tpu.memory_space<vmem>>, vector<16xf32>,
        %add3A_140 = arith.constant 0 : i32
        %add3A_141 = arith.addi %mul3A_98, %add3A_140 : i32
        %add3A_142 = arith.constant 64 : i32
        %add3A_143 = arith.addi %add3A_141, %add3A_142 : i32
        %swap3A_144 = arith.index_cast %add3A_143 : i32 to index
        %swap3A_145 = tpu.vector_load %arg11[%swap3A_144] {strides = array<i32>} : memref<5120xf32, #tpu.memory_space<vmem>>, vector<16xf32>,
        %swap3A_146 = vector.shape_cast %swap3A_145 : vector<16xf32> to vector<16xf32>
        %swap3A_147 = vector.shape_cast %scan3A_107#4 : vector<16xf32> to vector<16xf32>
        tpu.vector_store %arg11[%swap3A_144], %swap3A_147 {add = true, strides = array<i32>} : memref<5120xf32, #tpu.memory_space<vmem>>, vector<16xf32>,
        %add3A_148 = arith.constant 0 : i32
        %add3A_149 = arith.addi %mul3A_98, %add3A_148 : i32
        %add3A_150 = arith.constant 80 : i32
        %add3A_151 = arith.addi %add3A_149, %add3A_150 : i32
        %swap3A_152 = arith.index_cast %add3A_151 : i32 to index
        %swap3A_153 = tpu.vector_load %arg11[%swap3A_152] {strides = array<i32>} : memref<5120xf32, #tpu.memory_space<vmem>>, vector<16xf32>,
        %swap3A_154 = vector.shape_cast %swap3A_153 : vector<16xf32> to vector<16xf32>
        %swap3A_155 = vector.shape_cast %scan3A_107#5 : vector<16xf32> to vector<16xf32>
        tpu.vector_store %arg11[%swap3A_152], %swap3A_155 {add = true, strides = array<i32>} : memref<5120xf32, #tpu.memory_space<vmem>>, vector<16xf32>,
        %add3A_156 = arith.constant 0 : i32
        %add3A_157 = arith.addi %mul3A_98, %add3A_156 : i32
        %add3A_158 = arith.constant 96 : i32
        %add3A_159 = arith.addi %add3A_157, %add3A_158 : i32
        %swap3A_160 = arith.index_cast %add3A_159 : i32 to index
        %swap3A_161 = tpu.vector_load %arg11[%swap3A_160] {strides = array<i32>} : memref<5120xf32, #tpu.memory_space<vmem>>, vector<16xf32>,
        %swap3A_162 = vector.shape_cast %swap3A_161 : vector<16xf32> to vector<16xf32>
        %swap3A_163 = vector.shape_cast %scan3A_107#6 : vector<16xf32> to vector<16xf32>
        tpu.vector_store %arg11[%swap3A_160], %swap3A_163 {add = true, strides = array<i32>} : memref<5120xf32, #tpu.memory_space<vmem>>, vector<16xf32>,
        %add3A_164 = arith.constant 0 : i32
        %add3A_165 = arith.addi %mul3A_98, %add3A_164 : i32
        %add3A_166 = arith.constant 112 : i32
        %add3A_167 = arith.addi %add3A_165, %add3A_166 : i32
        %swap3A_168 = arith.index_cast %add3A_167 : i32 to index
        %swap3A_169 = tpu.vector_load %arg11[%swap3A_168] {strides = array<i32>} : memref<5120xf32, #tpu.memory_space<vmem>>, vector<16xf32>,
        %swap3A_170 = vector.shape_cast %swap3A_169 : vector<16xf32> to vector<16xf32>
        %swap3A_171 = vector.shape_cast %scan3A_107#7 : vector<16xf32> to vector<16xf32>
        tpu.vector_store %arg11[%swap3A_168], %swap3A_171 {add = true, strides = array<i32>} : memref<5120xf32, #tpu.memory_space<vmem>>, vector<16xf32>,
        %add3A_172 = arith.constant 0 : i32
        %add3A_173 = arith.addi %mul3A_98, %add3A_172 : i32
        %add3A_174 = arith.constant 128 : i32
        %add3A_175 = arith.addi %add3A_173, %add3A_174 : i32
        %swap3A_176 = arith.index_cast %add3A_175 : i32 to index
        %swap3A_177 = tpu.vector_load %arg11[%swap3A_176] {strides = array<i32>} : memref<5120xf32, #tpu.memory_space<vmem>>, vector<16xf32>,
        %swap3A_178 = vector.shape_cast %swap3A_177 : vector<16xf32> to vector<16xf32>
        %swap3A_179 = vector.shape_cast %scan3A_107#8 : vector<16xf32> to vector<16xf32>
        tpu.vector_store %arg11[%swap3A_176], %swap3A_179 {add = true, strides = array<i32>} : memref<5120xf32, #tpu.memory_space<vmem>>, vector<16xf32>,
        %add3A_180 = arith.constant 0 : i32
        %add3A_181 = arith.addi %mul3A_98, %add3A_180 : i32
        %add3A_182 = arith.constant 144 : i32
        %add3A_183 = arith.addi %add3A_181, %add3A_182 : i32
        %swap3A_184 = arith.index_cast %add3A_183 : i32 to index
        %swap3A_185 = tpu.vector_load %arg11[%swap3A_184] {strides = array<i32>} : memref<5120xf32, #tpu.memory_space<vmem>>, vector<16xf32>,
        %swap3A_186 = vector.shape_cast %swap3A_185 : vector<16xf32> to vector<16xf32>
        %swap3A_187 = vector.shape_cast %scan3A_107#9 : vector<16xf32> to vector<16xf32>
        tpu.vector_store %arg11[%swap3A_184], %swap3A_187 {add = true, strides = array<i32>} : memref<5120xf32, #tpu.memory_space<vmem>>, vector<16xf32>,
        %add3A_188 = arith.constant 0 : i32
        %add3A_189 = arith.addi %mul3A_98, %add3A_188 : i32
        %add3A_190 = arith.constant 160 : i32
        %add3A_191 = arith.addi %add3A_189, %add3A_190 : i32
        %swap3A_192 = arith.index_cast %add3A_191 : i32 to index
        %swap3A_193 = tpu.vector_load %arg11[%swap3A_192] {strides = array<i32>} : memref<5120xf32, #tpu.memory_space<vmem>>, vector<16xf32>,
        %swap3A_194 = vector.shape_cast %swap3A_193 : vector<16xf32> to vector<16xf32>
        %swap3A_195 = vector.shape_cast %scan3A_107#10 : vector<16xf32> to vector<16xf32>
        tpu.vector_store %arg11[%swap3A_192], %swap3A_195 {add = true, strides = array<i32>} : memref<5120xf32, #tpu.memory_space<vmem>>, vector<16xf32>,
        %add3A_196 = arith.constant 0 : i32
        %add3A_197 = arith.addi %mul3A_98, %add3A_196 : i32
        %add3A_198 = arith.constant 176 : i32
        %add3A_199 = arith.addi %add3A_197, %add3A_198 : i32
        %swap3A_200 = arith.index_cast %add3A_199 : i32 to index
        %swap3A_201 = tpu.vector_load %arg11[%swap3A_200] {strides = array<i32>} : memref<5120xf32, #tpu.memory_space<vmem>>, vector<16xf32>,
        %swap3A_202 = vector.shape_cast %swap3A_201 : vector<16xf32> to vector<16xf32>
        %swap3A_203 = vector.shape_cast %scan3A_107#11 : vector<16xf32> to vector<16xf32>
        tpu.vector_store %arg11[%swap3A_200], %swap3A_203 {add = true, strides = array<i32>} : memref<5120xf32, #tpu.memory_space<vmem>>, vector<16xf32>,
        %add3A_204 = arith.constant 0 : i32
        %add3A_205 = arith.addi %mul3A_98, %add3A_204 : i32
        %add3A_206 = arith.constant 192 : i32
        %add3A_207 = arith.addi %add3A_205, %add3A_206 : i32
        %swap3A_208 = arith.index_cast %add3A_207 : i32 to index
        %swap3A_209 = tpu.vector_load %arg11[%swap3A_208] {strides = array<i32>} : memref<5120xf32, #tpu.memory_space<vmem>>, vector<16xf32>,
        %swap3A_210 = vector.shape_cast %swap3A_209 : vector<16xf32> to vector<16xf32>
        %swap3A_211 = vector.shape_cast %scan3A_107#12 : vector<16xf32> to vector<16xf32>
        tpu.vector_store %arg11[%swap3A_208], %swap3A_211 {add = true, strides = array<i32>} : memref<5120xf32, #tpu.memory_space<vmem>>, vector<16xf32>,
        %add3A_212 = arith.constant 0 : i32
        %add3A_213 = arith.addi %mul3A_98, %add3A_212 : i32
        %add3A_214 = arith.constant 208 : i32
        %add3A_215 = arith.addi %add3A_213, %add3A_214 : i32
        %swap3A_216 = arith.index_cast %add3A_215 : i32 to index
        %swap3A_217 = tpu.vector_load %arg11[%swap3A_216] {strides = array<i32>} : memref<5120xf32, #tpu.memory_space<vmem>>, vector<16xf32>,
        %swap3A_218 = vector.shape_cast %swap3A_217 : vector<16xf32> to vector<16xf32>
        %swap3A_219 = vector.shape_cast %scan3A_107#13 : vector<16xf32> to vector<16xf32>
        tpu.vector_store %arg11[%swap3A_216], %swap3A_219 {add = true, strides = array<i32>} : memref<5120xf32, #tpu.memory_space<vmem>>, vector<16xf32>,
        %add3A_220 = arith.constant 0 : i32
        %add3A_221 = arith.addi %mul3A_98, %add3A_220 : i32
        %add3A_222 = arith.constant 224 : i32
        %add3A_223 = arith.addi %add3A_221, %add3A_222 : i32
        %swap3A_224 = arith.index_cast %add3A_223 : i32 to index
        %swap3A_225 = tpu.vector_load %arg11[%swap3A_224] {strides = array<i32>} : memref<5120xf32, #tpu.memory_space<vmem>>, vector<16xf32>,
        %swap3A_226 = vector.shape_cast %swap3A_225 : vector<16xf32> to vector<16xf32>
        %swap3A_227 = vector.shape_cast %scan3A_107#14 : vector<16xf32> to vector<16xf32>
        tpu.vector_store %arg11[%swap3A_224], %swap3A_227 {add = true, strides = array<i32>} : memref<5120xf32, #tpu.memory_space<vmem>>, vector<16xf32>,
        %add3A_228 = arith.constant 0 : i32
        %add3A_229 = arith.addi %mul3A_98, %add3A_228 : i32
        %add3A_230 = arith.constant 240 : i32
        %add3A_231 = arith.addi %add3A_229, %add3A_230 : i32
        %swap3A_232 = arith.index_cast %add3A_231 : i32 to index
        %swap3A_233 = tpu.vector_load %arg11[%swap3A_232] {strides = array<i32>} : memref<5120xf32, #tpu.memory_space<vmem>>, vector<16xf32>,
        %swap3A_234 = vector.shape_cast %swap3A_233 : vector<16xf32> to vector<16xf32>
        %swap3A_235 = vector.shape_cast %scan3A_107#15 : vector<16xf32> to vector<16xf32>
        tpu.vector_store %arg11[%swap3A_232], %swap3A_235 {add = true, strides = array<i32>} : memref<5120xf32, #tpu.memory_space<vmem>>, vector<16xf32>,
        %scan3A_236 = arith.constant 0 : i32
        %scan3A_237 = arith.constant 16 : i32
        %scan3A_238 = arith.addi %scan3A_236, %scan3A_237 : i32
        %scan3A_239 = arith.constant 1 : i32
        %scan3A_240:16 = scf.for %scan3A_371 = %scan3A_236 to %scan3A_238 step %scan3A_239 iter_args(%scan3A_372 = %broadcast_in_dim3A_102, %scan3A_373 = %broadcast_in_dim3A_102, %scan3A_374 = %broadcast_in_dim3A_102, %scan3A_375 = %broadcast_in_dim3A_102, %scan3A_376 = %broadcast_in_dim3A_102, %scan3A_377 = %broadcast_in_dim3A_102, %scan3A_378 = %broadcast_in_dim3A_102, %scan3A_379 = %broadcast_in_dim3A_102, %scan3A_380 = %broadcast_in_dim3A_102, %scan3A_381 = %broadcast_in_dim3A_102, %scan3A_382 = %broadcast_in_dim3A_102, %scan3A_383 = %broadcast_in_dim3A_102, %scan3A_384 = %broadcast_in_dim3A_102, %scan3A_385 = %broadcast_in_dim3A_102, %scan3A_386 = %broadcast_in_dim3A_102, %scan3A_387 = %broadcast_in_dim3A_102) -> (vector<16xf32>, vector<16xf32>, vector<16xf32>, vector<16xf32>, vector<16xf32>, vector<16xf32>, vector<16xf32>, vector<16xf32>, vector<16xf32>, vector<16xf32>, vector<16xf32>, vector<16xf32>, vector<16xf32>, vector<16xf32>, vector<16xf32>, vector<16xf32>)  : i32 {
          %broadcast_in_dim3A_388 = vector.broadcast %scan3A_371 : i32 to vector<16xi32>
          %lt3A_389 = arith.constant 0 : i32
          %lt3A_390 = vector.broadcast %lt3A_389 : i32 to vector<16xi32>
          %lt3A_391 = arith.cmpi slt, %broadcast_in_dim3A_388, %lt3A_390 : vector<16xi32>
          %add3A_392 = arith.constant 16 : i32
          %add3A_393 = vector.broadcast %add3A_392 : i32 to vector<16xi32>
          %add3A_394 = arith.addi %broadcast_in_dim3A_388, %add3A_393 : vector<16xi32>
          %select_n3A = arith.select %lt3A_391, %add3A_394, %broadcast_in_dim3A_388 : vector<16xi1>, vector<16xi32>
          %broadcast_in_dim3A_395 = vector.shape_cast %select_n3A : vector<16xi32> to vector<16x1xi32>
          %gather3A = vector.shape_cast %broadcast_in_dim3A_395 : vector<16x1xi32> to vector<16xi32>
          %gather3A_396 = tpu.dynamic_gather %get3A_101[%gather3A] in [0] : vector<16xf32>, vector<16xi32> -> vector<16xf32>
          %get3A_397 = arith.index_cast %scan3A_93 : i32 to index
          %get3A_398 = arith.index_cast %scan3A_371 : i32 to index
          %get3A_399 = arith.constant 256 : index
          %get3A_400 = tpu.vector_load %arg10[%get3A_397, %get3A_398, %get3A_399] {strides = array<i32>} : memref<4x16x512xf32, #tpu.memory_space<vmem>>, vector<1x1x16xf32>,
          %get3A_401 = vector.shape_cast %get3A_400 : vector<1x1x16xf32> to vector<16xf32>
          %mul3A_402 = arith.mulf %gather3A_396, %get3A_401 : vector<16xf32>
          %add3A_403 = arith.addf %scan3A_372, %mul3A_402 : vector<16xf32>
          %get3A_404 = arith.index_cast %scan3A_93 : i32 to index
          %get3A_405 = arith.index_cast %scan3A_371 : i32 to index
          %get3A_406 = arith.constant 272 : index
          %get3A_407 = tpu.vector_load %arg10[%get3A_404, %get3A_405, %get3A_406] {strides = array<i32>} : memref<4x16x512xf32, #tpu.memory_space<vmem>>, vector<1x1x16xf32>,
          %get3A_408 = vector.shape_cast %get3A_407 : vector<1x1x16xf32> to vector<16xf32>
          %mul3A_409 = arith.mulf %gather3A_396, %get3A_408 : vector<16xf32>
          %add3A_410 = arith.addf %scan3A_373, %mul3A_409 : vector<16xf32>
          %get3A_411 = arith.index_cast %scan3A_93 : i32 to index
          %get3A_412 = arith.index_cast %scan3A_371 : i32 to index
          %get3A_413 = arith.constant 288 : index
          %get3A_414 = tpu.vector_load %arg10[%get3A_411, %get3A_412, %get3A_413] {strides = array<i32>} : memref<4x16x512xf32, #tpu.memory_space<vmem>>, vector<1x1x16xf32>,
          %get3A_415 = vector.shape_cast %get3A_414 : vector<1x1x16xf32> to vector<16xf32>
          %mul3A_416 = arith.mulf %gather3A_396, %get3A_415 : vector<16xf32>
          %add3A_417 = arith.addf %scan3A_374, %mul3A_416 : vector<16xf32>
          %get3A_418 = arith.index_cast %scan3A_93 : i32 to index
          %get3A_419 = arith.index_cast %scan3A_371 : i32 to index
          %get3A_420 = arith.constant 304 : index
          %get3A_421 = tpu.vector_load %arg10[%get3A_418, %get3A_419, %get3A_420] {strides = array<i32>} : memref<4x16x512xf32, #tpu.memory_space<vmem>>, vector<1x1x16xf32>,
          %get3A_422 = vector.shape_cast %get3A_421 : vector<1x1x16xf32> to vector<16xf32>
          %mul3A_423 = arith.mulf %gather3A_396, %get3A_422 : vector<16xf32>
          %add3A_424 = arith.addf %scan3A_375, %mul3A_423 : vector<16xf32>
          %get3A_425 = arith.index_cast %scan3A_93 : i32 to index
          %get3A_426 = arith.index_cast %scan3A_371 : i32 to index
          %get3A_427 = arith.constant 320 : index
          %get3A_428 = tpu.vector_load %arg10[%get3A_425, %get3A_426, %get3A_427] {strides = array<i32>} : memref<4x16x512xf32, #tpu.memory_space<vmem>>, vector<1x1x16xf32>,
          %get3A_429 = vector.shape_cast %get3A_428 : vector<1x1x16xf32> to vector<16xf32>
          %mul3A_430 = arith.mulf %gather3A_396, %get3A_429 : vector<16xf32>
          %add3A_431 = arith.addf %scan3A_376, %mul3A_430 : vector<16xf32>
          %get3A_432 = arith.index_cast %scan3A_93 : i32 to index
          %get3A_433 = arith.index_cast %scan3A_371 : i32 to index
          %get3A_434 = arith.constant 336 : index
          %get3A_435 = tpu.vector_load %arg10[%get3A_432, %get3A_433, %get3A_434] {strides = array<i32>} : memref<4x16x512xf32, #tpu.memory_space<vmem>>, vector<1x1x16xf32>,
          %get3A_436 = vector.shape_cast %get3A_435 : vector<1x1x16xf32> to vector<16xf32>
          %mul3A_437 = arith.mulf %gather3A_396, %get3A_436 : vector<16xf32>
          %add3A_438 = arith.addf %scan3A_377, %mul3A_437 : vector<16xf32>
          %get3A_439 = arith.index_cast %scan3A_93 : i32 to index
          %get3A_440 = arith.index_cast %scan3A_371 : i32 to index
          %get3A_441 = arith.constant 352 : index
          %get3A_442 = tpu.vector_load %arg10[%get3A_439, %get3A_440, %get3A_441] {strides = array<i32>} : memref<4x16x512xf32, #tpu.memory_space<vmem>>, vector<1x1x16xf32>,
          %get3A_443 = vector.shape_cast %get3A_442 : vector<1x1x16xf32> to vector<16xf32>
          %mul3A_444 = arith.mulf %gather3A_396, %get3A_443 : vector<16xf32>
          %add3A_445 = arith.addf %scan3A_378, %mul3A_444 : vector<16xf32>
          %get3A_446 = arith.index_cast %scan3A_93 : i32 to index
          %get3A_447 = arith.index_cast %scan3A_371 : i32 to index
          %get3A_448 = arith.constant 368 : index
          %get3A_449 = tpu.vector_load %arg10[%get3A_446, %get3A_447, %get3A_448] {strides = array<i32>} : memref<4x16x512xf32, #tpu.memory_space<vmem>>, vector<1x1x16xf32>,
          %get3A_450 = vector.shape_cast %get3A_449 : vector<1x1x16xf32> to vector<16xf32>
          %mul3A_451 = arith.mulf %gather3A_396, %get3A_450 : vector<16xf32>
          %add3A_452 = arith.addf %scan3A_379, %mul3A_451 : vector<16xf32>
          %get3A_453 = arith.index_cast %scan3A_93 : i32 to index
          %get3A_454 = arith.index_cast %scan3A_371 : i32 to index
          %get3A_455 = arith.constant 384 : index
          %get3A_456 = tpu.vector_load %arg10[%get3A_453, %get3A_454, %get3A_455] {strides = array<i32>} : memref<4x16x512xf32, #tpu.memory_space<vmem>>, vector<1x1x16xf32>,
          %get3A_457 = vector.shape_cast %get3A_456 : vector<1x1x16xf32> to vector<16xf32>
          %mul3A_458 = arith.mulf %gather3A_396, %get3A_457 : vector<16xf32>
          %add3A_459 = arith.addf %scan3A_380, %mul3A_458 : vector<16xf32>
          %get3A_460 = arith.index_cast %scan3A_93 : i32 to index
          %get3A_461 = arith.index_cast %scan3A_371 : i32 to index
          %get3A_462 = arith.constant 400 : index
          %get3A_463 = tpu.vector_load %arg10[%get3A_460, %get3A_461, %get3A_462] {strides = array<i32>} : memref<4x16x512xf32, #tpu.memory_space<vmem>>, vector<1x1x16xf32>,
          %get3A_464 = vector.shape_cast %get3A_463 : vector<1x1x16xf32> to vector<16xf32>
          %mul3A_465 = arith.mulf %gather3A_396, %get3A_464 : vector<16xf32>
          %add3A_466 = arith.addf %scan3A_381, %mul3A_465 : vector<16xf32>
          %get3A_467 = arith.index_cast %scan3A_93 : i32 to index
          %get3A_468 = arith.index_cast %scan3A_371 : i32 to index
          %get3A_469 = arith.constant 416 : index
          %get3A_470 = tpu.vector_load %arg10[%get3A_467, %get3A_468, %get3A_469] {strides = array<i32>} : memref<4x16x512xf32, #tpu.memory_space<vmem>>, vector<1x1x16xf32>,
          %get3A_471 = vector.shape_cast %get3A_470 : vector<1x1x16xf32> to vector<16xf32>
          %mul3A_472 = arith.mulf %gather3A_396, %get3A_471 : vector<16xf32>
          %add3A_473 = arith.addf %scan3A_382, %mul3A_472 : vector<16xf32>
          %get3A_474 = arith.index_cast %scan3A_93 : i32 to index
          %get3A_475 = arith.index_cast %scan3A_371 : i32 to index
          %get3A_476 = arith.constant 432 : index
          %get3A_477 = tpu.vector_load %arg10[%get3A_474, %get3A_475, %get3A_476] {strides = array<i32>} : memref<4x16x512xf32, #tpu.memory_space<vmem>>, vector<1x1x16xf32>,
          %get3A_478 = vector.shape_cast %get3A_477 : vector<1x1x16xf32> to vector<16xf32>
          %mul3A_479 = arith.mulf %gather3A_396, %get3A_478 : vector<16xf32>
          %add3A_480 = arith.addf %scan3A_383, %mul3A_479 : vector<16xf32>
          %get3A_481 = arith.index_cast %scan3A_93 : i32 to index
          %get3A_482 = arith.index_cast %scan3A_371 : i32 to index
          %get3A_483 = arith.constant 448 : index
          %get3A_484 = tpu.vector_load %arg10[%get3A_481, %get3A_482, %get3A_483] {strides = array<i32>} : memref<4x16x512xf32, #tpu.memory_space<vmem>>, vector<1x1x16xf32>,
          %get3A_485 = vector.shape_cast %get3A_484 : vector<1x1x16xf32> to vector<16xf32>
          %mul3A_486 = arith.mulf %gather3A_396, %get3A_485 : vector<16xf32>
          %add3A_487 = arith.addf %scan3A_384, %mul3A_486 : vector<16xf32>
          %get3A_488 = arith.index_cast %scan3A_93 : i32 to index
          %get3A_489 = arith.index_cast %scan3A_371 : i32 to index
          %get3A_490 = arith.constant 464 : index
          %get3A_491 = tpu.vector_load %arg10[%get3A_488, %get3A_489, %get3A_490] {strides = array<i32>} : memref<4x16x512xf32, #tpu.memory_space<vmem>>, vector<1x1x16xf32>,
          %get3A_492 = vector.shape_cast %get3A_491 : vector<1x1x16xf32> to vector<16xf32>
          %mul3A_493 = arith.mulf %gather3A_396, %get3A_492 : vector<16xf32>
          %add3A_494 = arith.addf %scan3A_385, %mul3A_493 : vector<16xf32>
          %get3A_495 = arith.index_cast %scan3A_93 : i32 to index
          %get3A_496 = arith.index_cast %scan3A_371 : i32 to index
          %get3A_497 = arith.constant 480 : index
          %get3A_498 = tpu.vector_load %arg10[%get3A_495, %get3A_496, %get3A_497] {strides = array<i32>} : memref<4x16x512xf32, #tpu.memory_space<vmem>>, vector<1x1x16xf32>,
          %get3A_499 = vector.shape_cast %get3A_498 : vector<1x1x16xf32> to vector<16xf32>
          %mul3A_500 = arith.mulf %gather3A_396, %get3A_499 : vector<16xf32>
          %add3A_501 = arith.addf %scan3A_386, %mul3A_500 : vector<16xf32>
          %get3A_502 = arith.index_cast %scan3A_93 : i32 to index
          %get3A_503 = arith.index_cast %scan3A_371 : i32 to index
          %get3A_504 = arith.constant 496 : index
          %get3A_505 = tpu.vector_load %arg10[%get3A_502, %get3A_503, %get3A_504] {strides = array<i32>} : memref<4x16x512xf32, #tpu.memory_space<vmem>>, vector<1x1x16xf32>,
          %get3A_506 = vector.shape_cast %get3A_505 : vector<1x1x16xf32> to vector<16xf32>
          %mul3A_507 = arith.mulf %gather3A_396, %get3A_506 : vector<16xf32>
          %add3A_508 = arith.addf %scan3A_387, %mul3A_507 : vector<16xf32>
          scf.yield %add3A_403, %add3A_410, %add3A_417, %add3A_424, %add3A_431, %add3A_438, %add3A_445, %add3A_452, %add3A_459, %add3A_466, %add3A_473, %add3A_480, %add3A_487, %add3A_494, %add3A_501, %add3A_508 : vector<16xf32>, vector<16xf32>, vector<16xf32>, vector<16xf32>, vector<16xf32>, vector<16xf32>, vector<16xf32>, vector<16xf32>, vector<16xf32>, vector<16xf32>, vector<16xf32>, vector<16xf32>, vector<16xf32>, vector<16xf32>, vector<16xf32>, vector<16xf32>
        }
        %scan3A_241 = arith.constant 16 : i32
        %add3A_242 = arith.constant 256 : i32
        %add3A_243 = arith.addi %mul3A_98, %add3A_242 : i32
        %add3A_244 = arith.constant 0 : i32
        %add3A_245 = arith.addi %add3A_243, %add3A_244 : i32
        %swap3A_246 = arith.index_cast %add3A_245 : i32 to index
        %swap3A_247 = tpu.vector_load %arg11[%swap3A_246] {strides = array<i32>} : memref<5120xf32, #tpu.memory_space<vmem>>, vector<16xf32>,
        %swap3A_248 = vector.shape_cast %swap3A_247 : vector<16xf32> to vector<16xf32>
        %swap3A_249 = vector.shape_cast %scan3A_240#0 : vector<16xf32> to vector<16xf32>
        tpu.vector_store %arg11[%swap3A_246], %swap3A_249 {add = true, strides = array<i32>} : memref<5120xf32, #tpu.memory_space<vmem>>, vector<16xf32>,
        %add3A_250 = arith.constant 256 : i32
        %add3A_251 = arith.addi %mul3A_98, %add3A_250 : i32
        %add3A_252 = arith.constant 16 : i32
        %add3A_253 = arith.addi %add3A_251, %add3A_252 : i32
        %swap3A_254 = arith.index_cast %add3A_253 : i32 to index
        %swap3A_255 = tpu.vector_load %arg11[%swap3A_254] {strides = array<i32>} : memref<5120xf32, #tpu.memory_space<vmem>>, vector<16xf32>,
        %swap3A_256 = vector.shape_cast %swap3A_255 : vector<16xf32> to vector<16xf32>
        %swap3A_257 = vector.shape_cast %scan3A_240#1 : vector<16xf32> to vector<16xf32>
        tpu.vector_store %arg11[%swap3A_254], %swap3A_257 {add = true, strides = array<i32>} : memref<5120xf32, #tpu.memory_space<vmem>>, vector<16xf32>,
        %add3A_258 = arith.constant 256 : i32
        %add3A_259 = arith.addi %mul3A_98, %add3A_258 : i32
        %add3A_260 = arith.constant 32 : i32
        %add3A_261 = arith.addi %add3A_259, %add3A_260 : i32
        %swap3A_262 = arith.index_cast %add3A_261 : i32 to index
        %swap3A_263 = tpu.vector_load %arg11[%swap3A_262] {strides = array<i32>} : memref<5120xf32, #tpu.memory_space<vmem>>, vector<16xf32>,
        %swap3A_264 = vector.shape_cast %swap3A_263 : vector<16xf32> to vector<16xf32>
        %swap3A_265 = vector.shape_cast %scan3A_240#2 : vector<16xf32> to vector<16xf32>
        tpu.vector_store %arg11[%swap3A_262], %swap3A_265 {add = true, strides = array<i32>} : memref<5120xf32, #tpu.memory_space<vmem>>, vector<16xf32>,
        %add3A_266 = arith.constant 256 : i32
        %add3A_267 = arith.addi %mul3A_98, %add3A_266 : i32
        %add3A_268 = arith.constant 48 : i32
        %add3A_269 = arith.addi %add3A_267, %add3A_268 : i32
        %swap3A_270 = arith.index_cast %add3A_269 : i32 to index
        %swap3A_271 = tpu.vector_load %arg11[%swap3A_270] {strides = array<i32>} : memref<5120xf32, #tpu.memory_space<vmem>>, vector<16xf32>,
        %swap3A_272 = vector.shape_cast %swap3A_271 : vector<16xf32> to vector<16xf32>
        %swap3A_273 = vector.shape_cast %scan3A_240#3 : vector<16xf32> to vector<16xf32>
        tpu.vector_store %arg11[%swap3A_270], %swap3A_273 {add = true, strides = array<i32>} : memref<5120xf32, #tpu.memory_space<vmem>>, vector<16xf32>,
        %add3A_274 = arith.constant 256 : i32
        %add3A_275 = arith.addi %mul3A_98, %add3A_274 : i32
        %add3A_276 = arith.constant 64 : i32
        %add3A_277 = arith.addi %add3A_275, %add3A_276 : i32
        %swap3A_278 = arith.index_cast %add3A_277 : i32 to index
        %swap3A_279 = tpu.vector_load %arg11[%swap3A_278] {strides = array<i32>} : memref<5120xf32, #tpu.memory_space<vmem>>, vector<16xf32>,
        %swap3A_280 = vector.shape_cast %swap3A_279 : vector<16xf32> to vector<16xf32>
        %swap3A_281 = vector.shape_cast %scan3A_240#4 : vector<16xf32> to vector<16xf32>
        tpu.vector_store %arg11[%swap3A_278], %swap3A_281 {add = true, strides = array<i32>} : memref<5120xf32, #tpu.memory_space<vmem>>, vector<16xf32>,
        %add3A_282 = arith.constant 256 : i32
        %add3A_283 = arith.addi %mul3A_98, %add3A_282 : i32
        %add3A_284 = arith.constant 80 : i32
        %add3A_285 = arith.addi %add3A_283, %add3A_284 : i32
        %swap3A_286 = arith.index_cast %add3A_285 : i32 to index
        %swap3A_287 = tpu.vector_load %arg11[%swap3A_286] {strides = array<i32>} : memref<5120xf32, #tpu.memory_space<vmem>>, vector<16xf32>,
        %swap3A_288 = vector.shape_cast %swap3A_287 : vector<16xf32> to vector<16xf32>
        %swap3A_289 = vector.shape_cast %scan3A_240#5 : vector<16xf32> to vector<16xf32>
        tpu.vector_store %arg11[%swap3A_286], %swap3A_289 {add = true, strides = array<i32>} : memref<5120xf32, #tpu.memory_space<vmem>>, vector<16xf32>,
        %add3A_290 = arith.constant 256 : i32
        %add3A_291 = arith.addi %mul3A_98, %add3A_290 : i32
        %add3A_292 = arith.constant 96 : i32
        %add3A_293 = arith.addi %add3A_291, %add3A_292 : i32
        %swap3A_294 = arith.index_cast %add3A_293 : i32 to index
        %swap3A_295 = tpu.vector_load %arg11[%swap3A_294] {strides = array<i32>} : memref<5120xf32, #tpu.memory_space<vmem>>, vector<16xf32>,
        %swap3A_296 = vector.shape_cast %swap3A_295 : vector<16xf32> to vector<16xf32>
        %swap3A_297 = vector.shape_cast %scan3A_240#6 : vector<16xf32> to vector<16xf32>
        tpu.vector_store %arg11[%swap3A_294], %swap3A_297 {add = true, strides = array<i32>} : memref<5120xf32, #tpu.memory_space<vmem>>, vector<16xf32>,
        %add3A_298 = arith.constant 256 : i32
        %add3A_299 = arith.addi %mul3A_98, %add3A_298 : i32
        %add3A_300 = arith.constant 112 : i32
        %add3A_301 = arith.addi %add3A_299, %add3A_300 : i32
        %swap3A_302 = arith.index_cast %add3A_301 : i32 to index
        %swap3A_303 = tpu.vector_load %arg11[%swap3A_302] {strides = array<i32>} : memref<5120xf32, #tpu.memory_space<vmem>>, vector<16xf32>,
        %swap3A_304 = vector.shape_cast %swap3A_303 : vector<16xf32> to vector<16xf32>
        %swap3A_305 = vector.shape_cast %scan3A_240#7 : vector<16xf32> to vector<16xf32>
        tpu.vector_store %arg11[%swap3A_302], %swap3A_305 {add = true, strides = array<i32>} : memref<5120xf32, #tpu.memory_space<vmem>>, vector<16xf32>,
        %add3A_306 = arith.constant 256 : i32
        %add3A_307 = arith.addi %mul3A_98, %add3A_306 : i32
        %add3A_308 = arith.constant 128 : i32
        %add3A_309 = arith.addi %add3A_307, %add3A_308 : i32
        %swap3A_310 = arith.index_cast %add3A_309 : i32 to index
        %swap3A_311 = tpu.vector_load %arg11[%swap3A_310] {strides = array<i32>} : memref<5120xf32, #tpu.memory_space<vmem>>, vector<16xf32>,
        %swap3A_312 = vector.shape_cast %swap3A_311 : vector<16xf32> to vector<16xf32>
        %swap3A_313 = vector.shape_cast %scan3A_240#8 : vector<16xf32> to vector<16xf32>
        tpu.vector_store %arg11[%swap3A_310], %swap3A_313 {add = true, strides = array<i32>} : memref<5120xf32, #tpu.memory_space<vmem>>, vector<16xf32>,
        %add3A_314 = arith.constant 256 : i32
        %add3A_315 = arith.addi %mul3A_98, %add3A_314 : i32
        %add3A_316 = arith.constant 144 : i32
        %add3A_317 = arith.addi %add3A_315, %add3A_316 : i32
        %swap3A_318 = arith.index_cast %add3A_317 : i32 to index
        %swap3A_319 = tpu.vector_load %arg11[%swap3A_318] {strides = array<i32>} : memref<5120xf32, #tpu.memory_space<vmem>>, vector<16xf32>,
        %swap3A_320 = vector.shape_cast %swap3A_319 : vector<16xf32> to vector<16xf32>
        %swap3A_321 = vector.shape_cast %scan3A_240#9 : vector<16xf32> to vector<16xf32>
        tpu.vector_store %arg11[%swap3A_318], %swap3A_321 {add = true, strides = array<i32>} : memref<5120xf32, #tpu.memory_space<vmem>>, vector<16xf32>,
        %add3A_322 = arith.constant 256 : i32
        %add3A_323 = arith.addi %mul3A_98, %add3A_322 : i32
        %add3A_324 = arith.constant 160 : i32
        %add3A_325 = arith.addi %add3A_323, %add3A_324 : i32
        %swap3A_326 = arith.index_cast %add3A_325 : i32 to index
        %swap3A_327 = tpu.vector_load %arg11[%swap3A_326] {strides = array<i32>} : memref<5120xf32, #tpu.memory_space<vmem>>, vector<16xf32>,
        %swap3A_328 = vector.shape_cast %swap3A_327 : vector<16xf32> to vector<16xf32>
        %swap3A_329 = vector.shape_cast %scan3A_240#10 : vector<16xf32> to vector<16xf32>
        tpu.vector_store %arg11[%swap3A_326], %swap3A_329 {add = true, strides = array<i32>} : memref<5120xf32, #tpu.memory_space<vmem>>, vector<16xf32>,
        %add3A_330 = arith.constant 256 : i32
        %add3A_331 = arith.addi %mul3A_98, %add3A_330 : i32
        %add3A_332 = arith.constant 176 : i32
        %add3A_333 = arith.addi %add3A_331, %add3A_332 : i32
        %swap3A_334 = arith.index_cast %add3A_333 : i32 to index
        %swap3A_335 = tpu.vector_load %arg11[%swap3A_334] {strides = array<i32>} : memref<5120xf32, #tpu.memory_space<vmem>>, vector<16xf32>,
        %swap3A_336 = vector.shape_cast %swap3A_335 : vector<16xf32> to vector<16xf32>
        %swap3A_337 = vector.shape_cast %scan3A_240#11 : vector<16xf32> to vector<16xf32>
        tpu.vector_store %arg11[%swap3A_334], %swap3A_337 {add = true, strides = array<i32>} : memref<5120xf32, #tpu.memory_space<vmem>>, vector<16xf32>,
        %add3A_338 = arith.constant 256 : i32
        %add3A_339 = arith.addi %mul3A_98, %add3A_338 : i32
        %add3A_340 = arith.constant 192 : i32
        %add3A_341 = arith.addi %add3A_339, %add3A_340 : i32
        %swap3A_342 = arith.index_cast %add3A_341 : i32 to index
        %swap3A_343 = tpu.vector_load %arg11[%swap3A_342] {strides = array<i32>} : memref<5120xf32, #tpu.memory_space<vmem>>, vector<16xf32>,
        %swap3A_344 = vector.shape_cast %swap3A_343 : vector<16xf32> to vector<16xf32>
        %swap3A_345 = vector.shape_cast %scan3A_240#12 : vector<16xf32> to vector<16xf32>
        tpu.vector_store %arg11[%swap3A_342], %swap3A_345 {add = true, strides = array<i32>} : memref<5120xf32, #tpu.memory_space<vmem>>, vector<16xf32>,
        %add3A_346 = arith.constant 256 : i32
        %add3A_347 = arith.addi %mul3A_98, %add3A_346 : i32
        %add3A_348 = arith.constant 208 : i32
        %add3A_349 = arith.addi %add3A_347, %add3A_348 : i32
        %swap3A_350 = arith.index_cast %add3A_349 : i32 to index
        %swap3A_351 = tpu.vector_load %arg11[%swap3A_350] {strides = array<i32>} : memref<5120xf32, #tpu.memory_space<vmem>>, vector<16xf32>,
        %swap3A_352 = vector.shape_cast %swap3A_351 : vector<16xf32> to vector<16xf32>
        %swap3A_353 = vector.shape_cast %scan3A_240#13 : vector<16xf32> to vector<16xf32>
        tpu.vector_store %arg11[%swap3A_350], %swap3A_353 {add = true, strides = array<i32>} : memref<5120xf32, #tpu.memory_space<vmem>>, vector<16xf32>,
        %add3A_354 = arith.constant 256 : i32
        %add3A_355 = arith.addi %mul3A_98, %add3A_354 : i32
        %add3A_356 = arith.constant 224 : i32
        %add3A_357 = arith.addi %add3A_355, %add3A_356 : i32
        %swap3A_358 = arith.index_cast %add3A_357 : i32 to index
        %swap3A_359 = tpu.vector_load %arg11[%swap3A_358] {strides = array<i32>} : memref<5120xf32, #tpu.memory_space<vmem>>, vector<16xf32>,
        %swap3A_360 = vector.shape_cast %swap3A_359 : vector<16xf32> to vector<16xf32>
        %swap3A_361 = vector.shape_cast %scan3A_240#14 : vector<16xf32> to vector<16xf32>
        tpu.vector_store %arg11[%swap3A_358], %swap3A_361 {add = true, strides = array<i32>} : memref<5120xf32, #tpu.memory_space<vmem>>, vector<16xf32>,
        %add3A_362 = arith.constant 256 : i32
        %add3A_363 = arith.addi %mul3A_98, %add3A_362 : i32
        %add3A_364 = arith.constant 240 : i32
        %add3A_365 = arith.addi %add3A_363, %add3A_364 : i32
        %swap3A_366 = arith.index_cast %add3A_365 : i32 to index
        %swap3A_367 = tpu.vector_load %arg11[%swap3A_366] {strides = array<i32>} : memref<5120xf32, #tpu.memory_space<vmem>>, vector<16xf32>,
        %swap3A_368 = vector.shape_cast %swap3A_367 : vector<16xf32> to vector<16xf32>
        %swap3A_369 = vector.shape_cast %scan3A_240#15 : vector<16xf32> to vector<16xf32>
        tpu.vector_store %arg11[%swap3A_366], %swap3A_369 {add = true, strides = array<i32>} : memref<5120xf32, #tpu.memory_space<vmem>>, vector<16xf32>,
        %scan3A_370 = arith.constant 0 : i32
        scf.yield %scan3A_370 : i32
      }
      %scan3A_85 = arith.constant 4 : i32
      %add3A_86 = arith.constant 8 : i32
      %add3A_87 = arith.addi %add3A_72, %add3A_86 : i32
      %lt3A_88 = arith.cmpi slt, %add3A_87, %add3A_33 : i32
      %convert_element_type3A_89 = arith.extui %lt3A_88 : i1 to i32
      %cond3A_90 = arith.constant 0 : i32
      %cond3A_91 = arith.cmpi ne, %convert_element_type3A_89, %cond3A_90 : i32
      scf.if %cond3A_91 {
        %add3A_93 = arith.constant 8 : i32
        %add3A_94 = arith.addi %add3A_72, %add3A_93 : i32
        %dma_start3A_95 = arith.constant 0 : i32
        %dma_start3A_96 = arith.constant 0 : i32
        %dma_start3A_97 = tpu.memref_slice %arg4[%add3A_94, %dma_start3A_95, %dma_start3A_96] : memref<4096x16x512xf32, #tpu.memory_space<hbm>> -> memref<4x16x512xf32, #tpu.memory_space<hbm>>
        %dma_start3A_98 = arith.constant 0 : i32
        %dma_start3A_99 = arith.constant 0 : i32
        %dma_start3A_100 = tpu.memref_slice %arg4[%add3A_94, %dma_start3A_98, %dma_start3A_99] : memref<4096x16x512xf32, #tpu.memory_space<hbm>> -> memref<4x16x512xf32, #tpu.memory_space<hbm>>
        tpu.enqueue_dma source(%dma_start3A_100 : memref<4x16x512xf32, #tpu.memory_space<hbm>>) target(%arg10 : memref<4x16x512xf32, #tpu.memory_space<vmem>>) target_semaphore(%arg13 : memref<!tpu.dma_semaphore, #tpu.memory_space<semaphore_mem>>)
      } else {
      }
      %scan3A_92 = arith.constant 0 : i32
      scf.yield %scan3A_92 : i32
    }
    %scan3A_40 = arith.constant 9 : i32
    %ne3A = arith.constant 31 : i32
    %ne3A_41 = arith.cmpi ne, %add3A, %ne3A : i32
    %convert_element_type3A = arith.extui %ne3A_41 : i1 to i32
    %cond3A = arith.constant 0 : i32
    %cond3A_42 = arith.cmpi ne, %convert_element_type3A, %cond3A : i32
    scf.if %cond3A_42 {
      %mul3A_47 = arith.constant 64 : i32
      %mul3A_48 = arith.muli %add3A, %mul3A_47 : i32
      %mul3A_49 = arith.constant 64 : i32
      %mul3A_50 = arith.muli %mul3A_48, %mul3A_49 : i32
      "tpu.region"() ({
        %run_scoped3A = tpu.sem_alloc : memref<!tpu.dma_semaphore, #tpu.memory_space<semaphore_mem>>
        %dma_start3A_51 = arith.constant 512 : i32
        %dma_start3A_52 = tpu.memref_slice %arg11[%dma_start3A_51] : memref<5120xf32, #tpu.memory_space<vmem>> -> memref<4096xf32, #tpu.memory_space<vmem>>
        %dma_start3A_53 = tpu.memref_slice %arg5[%mul3A_50] : memref<131584xf32, #tpu.memory_space<hbm>> -> memref<4096xf32, #tpu.memory_space<hbm>>
        %dma_start3A_54 = tpu.memref_slice %arg5[%mul3A_50] : memref<131584xf32, #tpu.memory_space<hbm>> -> memref<4096xf32, #tpu.memory_space<hbm>>
        %dma_start3A_55 = arith.constant 512 : i32
        %dma_start3A_56 = tpu.memref_slice %arg11[%dma_start3A_55] : memref<5120xf32, #tpu.memory_space<vmem>> -> memref<4096xf32, #tpu.memory_space<vmem>>
        tpu.enqueue_dma source(%dma_start3A_56 : memref<4096xf32, #tpu.memory_space<vmem>>) target(%dma_start3A_54 : memref<4096xf32, #tpu.memory_space<hbm>>) target_semaphore(%run_scoped3A : memref<!tpu.dma_semaphore, #tpu.memory_space<semaphore_mem>>)
        %dma_wait3A = arith.constant 512 : i32
        %dma_wait3A_57 = tpu.memref_slice %arg11[%dma_wait3A] : memref<5120xf32, #tpu.memory_space<vmem>> -> memref<4096xf32, #tpu.memory_space<vmem>>
        %dma_wait3A_58 = tpu.memref_slice %arg5[%mul3A_50] : memref<131584xf32, #tpu.memory_space<hbm>> -> memref<4096xf32, #tpu.memory_space<hbm>>
        %dma_wait3A_59 = tpu.memref_slice %arg5[%mul3A_50] : memref<131584xf32, #tpu.memory_space<hbm>> -> memref<4096xf32, #tpu.memory_space<hbm>>
        %dma_wait3A_60 = arith.constant 512 : i32
        %dma_wait3A_61 = tpu.memref_slice %arg11[%dma_wait3A_60] : memref<5120xf32, #tpu.memory_space<vmem>> -> memref<4096xf32, #tpu.memory_space<vmem>>
        tpu.wait_dma2 semaphore(%run_scoped3A : memref<!tpu.dma_semaphore, #tpu.memory_space<semaphore_mem>>) src(%dma_wait3A_61 : memref<4096xf32, #tpu.memory_space<vmem>>) dst(%dma_wait3A_59 : memref<4096xf32, #tpu.memory_space<hbm>>)
        tpu.yield
      }) : () -> ()
    } else {
    }
    %eq3A = arith.constant 31 : i32
    %eq3A_43 = arith.cmpi eq, %add3A, %eq3A : i32
    %convert_element_type3A_44 = arith.extui %eq3A_43 : i1 to i32
    %cond3A_45 = arith.constant 0 : i32
    %cond3A_46 = arith.cmpi ne, %convert_element_type3A_44, %cond3A_45 : i32
    scf.if %cond3A_46 {
      %mul3A_47 = arith.constant 64 : i32
      %mul3A_48 = arith.muli %add3A, %mul3A_47 : i32
      %mul3A_49 = arith.constant 64 : i32
      %mul3A_50 = arith.muli %mul3A_48, %mul3A_49 : i32
      "tpu.region"() ({
        %run_scoped3A = tpu.sem_alloc : memref<!tpu.dma_semaphore, #tpu.memory_space<semaphore_mem>>
        %dma_start3A_51 = arith.constant 512 : i32
        %dma_start3A_52 = tpu.memref_slice %arg11[%dma_start3A_51] : memref<5120xf32, #tpu.memory_space<vmem>> -> memref<4608xf32, #tpu.memory_space<vmem>>
        %dma_start3A_53 = tpu.memref_slice %arg5[%mul3A_50] : memref<131584xf32, #tpu.memory_space<hbm>> -> memref<4608xf32, #tpu.memory_space<hbm>>
        %dma_start3A_54 = tpu.memref_slice %arg5[%mul3A_50] : memref<131584xf32, #tpu.memory_space<hbm>> -> memref<4608xf32, #tpu.memory_space<hbm>>
        %dma_start3A_55 = arith.constant 512 : i32
        %dma_start3A_56 = tpu.memref_slice %arg11[%dma_start3A_55] : memref<5120xf32, #tpu.memory_space<vmem>> -> memref<4608xf32, #tpu.memory_space<vmem>>
        tpu.enqueue_dma source(%dma_start3A_56 : memref<4608xf32, #tpu.memory_space<vmem>>) target(%dma_start3A_54 : memref<4608xf32, #tpu.memory_space<hbm>>) target_semaphore(%run_scoped3A : memref<!tpu.dma_semaphore, #tpu.memory_space<semaphore_mem>>)
        %dma_wait3A = arith.constant 512 : i32
        %dma_wait3A_57 = tpu.memref_slice %arg11[%dma_wait3A] : memref<5120xf32, #tpu.memory_space<vmem>> -> memref<4608xf32, #tpu.memory_space<vmem>>
        %dma_wait3A_58 = tpu.memref_slice %arg5[%mul3A_50] : memref<131584xf32, #tpu.memory_space<hbm>> -> memref<4608xf32, #tpu.memory_space<hbm>>
        %dma_wait3A_59 = tpu.memref_slice %arg5[%mul3A_50] : memref<131584xf32, #tpu.memory_space<hbm>> -> memref<4608xf32, #tpu.memory_space<hbm>>
        %dma_wait3A_60 = arith.constant 512 : i32
        %dma_wait3A_61 = tpu.memref_slice %arg11[%dma_wait3A_60] : memref<5120xf32, #tpu.memory_space<vmem>> -> memref<4608xf32, #tpu.memory_space<vmem>>
        tpu.wait_dma2 semaphore(%run_scoped3A : memref<!tpu.dma_semaphore, #tpu.memory_space<semaphore_mem>>) src(%dma_wait3A_61 : memref<4608xf32, #tpu.memory_space<vmem>>) dst(%dma_wait3A_59 : memref<4608xf32, #tpu.memory_space<hbm>>)
        tpu.yield
      }) : () -> ()
    } else {
    }
    return
  }
}

module attributes {stable_mosaic.version = 14 : i64} {
  func.func @_tc_body(%arg0: i32, %arg1: memref<64x16xf32, #tpu.memory_space<vmem>>, %arg2: memref<64x16xf32, #tpu.memory_space<vmem>>, %arg3: memref<64x16x512xf32, #tpu.memory_space<vmem>>, %arg4: memref<64x64xf32, #tpu.memory_space<vmem>>, %arg5: memref<8x64xf32, #tpu.memory_space<vmem>>) attributes {dimension_semantics = [#tpu.dimension_semantics<arbitrary>], iteration_bounds = array<i64: 32>, scalar_prefetch = 0 : i64, scratch_operands = 1 : i64, tpu.core_type = #tpu.core_type<tc>, window_params = [{transform_indices = @transform_0, window_bounds = array<i64: 64, 16>}, {transform_indices = @transform_1, window_bounds = array<i64: 64, 16>}, {transform_indices = @transform_2, window_bounds = array<i64: 64, 16, 512>}, {transform_indices = @transform_3, window_bounds = array<i64: 64, 64>}]} {
    %eq3A = arith.constant 0 : i32
    %eq3A_0 = arith.cmpi eq, %arg0, %eq3A : i32
    %convert_element_type3A = arith.extui %eq3A_0 : i1 to i32
    %cond3A = arith.constant 0 : i32
    %cond3A_1 = arith.cmpi ne, %convert_element_type3A, %cond3A : i32
    scf.if %cond3A_1 {
      %broadcast_in_dim3A_238 = arith.constant 0.000000e+00 : f32
      %broadcast_in_dim3A_239 = vector.broadcast %broadcast_in_dim3A_238 : f32 to vector<8x64xf32>
      %swap3A_240 = arith.constant 0 : index
      %swap3A_241 = arith.constant 0 : index
      %swap3A_242 = vector.load %arg5[%swap3A_240, %swap3A_241] : memref<8x64xf32, #tpu.memory_space<vmem>>, vector<8x64xf32>
      tpu.vector_store %arg5[%swap3A_240, %swap3A_241], %broadcast_in_dim3A_239 {strides = array<i32>} : memref<8x64xf32, #tpu.memory_space<vmem>>, vector<8x64xf32>,
    } else {
    }
    %get3A = arith.constant 0 : index
    %get3A_2 = arith.constant 0 : index
    %get3A_3 = vector.load %arg2[%get3A, %get3A_2] : memref<64x16xf32, #tpu.memory_space<vmem>>, vector<64x16xf32>
    %mul3A = arith.constant 1.500000e+00 : f32
    %mul3A_4 = vector.broadcast %mul3A : f32 to vector<64x16xf32>
    %mul3A_5 = arith.mulf %get3A_3, %mul3A_4 : vector<64x16xf32>
    %get3A_6 = arith.constant 0 : index
    %get3A_7 = arith.constant 0 : index
    %get3A_8 = vector.load %arg2[%get3A_6, %get3A_7] : memref<64x16xf32, #tpu.memory_space<vmem>>, vector<64x16xf32>
    %add3A = arith.constant 1.500000e+00 : f32
    %add3A_9 = vector.broadcast %add3A : f32 to vector<64x16xf32>
    %add3A_10 = arith.addf %get3A_8, %add3A_9 : vector<64x16xf32>
    %div3A = arith.divf %mul3A_5, %add3A_10 : vector<64x16xf32>
    %get3A_11 = arith.constant 0 : index
    %get3A_12 = arith.constant 0 : index
    %get3A_13 = vector.load %arg1[%get3A_11, %get3A_12] : memref<64x16xf32, #tpu.memory_space<vmem>>, vector<64x16xf32>
    %mul3A_14 = arith.mulf %div3A, %get3A_13 : vector<64x16xf32>
    %slice3A = vector.extract_strided_slice %mul3A_14 {offsets = [0, 0], sizes = [64, 1], strides = [1, 1]} : vector<64x16xf32> to vector<64x1xf32>
    %get3A_15 = arith.constant 0 : index
    %get3A_16 = arith.constant 0 : index
    %get3A_17 = arith.constant 0 : index
    %get3A_18 = vector.load %arg3[%get3A_15, %get3A_16, %get3A_17] : memref<64x16x512xf32, #tpu.memory_space<vmem>>, vector<64x1x512xf32>
    %get3A_19 = vector.shape_cast %get3A_18 : vector<64x1x512xf32> to vector<64x512xf32>
    %mul3A_20 = vector.broadcast %slice3A : vector<64x1xf32> to vector<64x512xf32>
    %mul3A_21 = arith.mulf %mul3A_20, %get3A_19 : vector<64x512xf32>
    %slice3A_22 = vector.extract_strided_slice %mul3A_14 {offsets = [0, 1], sizes = [64, 1], strides = [1, 1]} : vector<64x16xf32> to vector<64x1xf32>
    %get3A_23 = arith.constant 0 : index
    %get3A_24 = arith.constant 1 : index
    %get3A_25 = arith.constant 0 : index
    %get3A_26 = vector.load %arg3[%get3A_23, %get3A_24, %get3A_25] : memref<64x16x512xf32, #tpu.memory_space<vmem>>, vector<64x1x512xf32>
    %get3A_27 = vector.shape_cast %get3A_26 : vector<64x1x512xf32> to vector<64x512xf32>
    %mul3A_28 = vector.broadcast %slice3A_22 : vector<64x1xf32> to vector<64x512xf32>
    %mul3A_29 = arith.mulf %mul3A_28, %get3A_27 : vector<64x512xf32>
    %add3A_30 = arith.addf %mul3A_21, %mul3A_29 : vector<64x512xf32>
    %slice3A_31 = vector.extract_strided_slice %mul3A_14 {offsets = [0, 2], sizes = [64, 1], strides = [1, 1]} : vector<64x16xf32> to vector<64x1xf32>
    %get3A_32 = arith.constant 0 : index
    %get3A_33 = arith.constant 2 : index
    %get3A_34 = arith.constant 0 : index
    %get3A_35 = vector.load %arg3[%get3A_32, %get3A_33, %get3A_34] : memref<64x16x512xf32, #tpu.memory_space<vmem>>, vector<64x1x512xf32>
    %get3A_36 = vector.shape_cast %get3A_35 : vector<64x1x512xf32> to vector<64x512xf32>
    %mul3A_37 = vector.broadcast %slice3A_31 : vector<64x1xf32> to vector<64x512xf32>
    %mul3A_38 = arith.mulf %mul3A_37, %get3A_36 : vector<64x512xf32>
    %add3A_39 = arith.addf %add3A_30, %mul3A_38 : vector<64x512xf32>
    %slice3A_40 = vector.extract_strided_slice %mul3A_14 {offsets = [0, 3], sizes = [64, 1], strides = [1, 1]} : vector<64x16xf32> to vector<64x1xf32>
    %get3A_41 = arith.constant 0 : index
    %get3A_42 = arith.constant 3 : index
    %get3A_43 = arith.constant 0 : index
    %get3A_44 = vector.load %arg3[%get3A_41, %get3A_42, %get3A_43] : memref<64x16x512xf32, #tpu.memory_space<vmem>>, vector<64x1x512xf32>
    %get3A_45 = vector.shape_cast %get3A_44 : vector<64x1x512xf32> to vector<64x512xf32>
    %mul3A_46 = vector.broadcast %slice3A_40 : vector<64x1xf32> to vector<64x512xf32>
    %mul3A_47 = arith.mulf %mul3A_46, %get3A_45 : vector<64x512xf32>
    %add3A_48 = arith.addf %add3A_39, %mul3A_47 : vector<64x512xf32>
    %slice3A_49 = vector.extract_strided_slice %mul3A_14 {offsets = [0, 4], sizes = [64, 1], strides = [1, 1]} : vector<64x16xf32> to vector<64x1xf32>
    %get3A_50 = arith.constant 0 : index
    %get3A_51 = arith.constant 4 : index
    %get3A_52 = arith.constant 0 : index
    %get3A_53 = vector.load %arg3[%get3A_50, %get3A_51, %get3A_52] : memref<64x16x512xf32, #tpu.memory_space<vmem>>, vector<64x1x512xf32>
    %get3A_54 = vector.shape_cast %get3A_53 : vector<64x1x512xf32> to vector<64x512xf32>
    %mul3A_55 = vector.broadcast %slice3A_49 : vector<64x1xf32> to vector<64x512xf32>
    %mul3A_56 = arith.mulf %mul3A_55, %get3A_54 : vector<64x512xf32>
    %add3A_57 = arith.addf %add3A_48, %mul3A_56 : vector<64x512xf32>
    %slice3A_58 = vector.extract_strided_slice %mul3A_14 {offsets = [0, 5], sizes = [64, 1], strides = [1, 1]} : vector<64x16xf32> to vector<64x1xf32>
    %get3A_59 = arith.constant 0 : index
    %get3A_60 = arith.constant 5 : index
    %get3A_61 = arith.constant 0 : index
    %get3A_62 = vector.load %arg3[%get3A_59, %get3A_60, %get3A_61] : memref<64x16x512xf32, #tpu.memory_space<vmem>>, vector<64x1x512xf32>
    %get3A_63 = vector.shape_cast %get3A_62 : vector<64x1x512xf32> to vector<64x512xf32>
    %mul3A_64 = vector.broadcast %slice3A_58 : vector<64x1xf32> to vector<64x512xf32>
    %mul3A_65 = arith.mulf %mul3A_64, %get3A_63 : vector<64x512xf32>
    %add3A_66 = arith.addf %add3A_57, %mul3A_65 : vector<64x512xf32>
    %slice3A_67 = vector.extract_strided_slice %mul3A_14 {offsets = [0, 6], sizes = [64, 1], strides = [1, 1]} : vector<64x16xf32> to vector<64x1xf32>
    %get3A_68 = arith.constant 0 : index
    %get3A_69 = arith.constant 6 : index
    %get3A_70 = arith.constant 0 : index
    %get3A_71 = vector.load %arg3[%get3A_68, %get3A_69, %get3A_70] : memref<64x16x512xf32, #tpu.memory_space<vmem>>, vector<64x1x512xf32>
    %get3A_72 = vector.shape_cast %get3A_71 : vector<64x1x512xf32> to vector<64x512xf32>
    %mul3A_73 = vector.broadcast %slice3A_67 : vector<64x1xf32> to vector<64x512xf32>
    %mul3A_74 = arith.mulf %mul3A_73, %get3A_72 : vector<64x512xf32>
    %add3A_75 = arith.addf %add3A_66, %mul3A_74 : vector<64x512xf32>
    %slice3A_76 = vector.extract_strided_slice %mul3A_14 {offsets = [0, 7], sizes = [64, 1], strides = [1, 1]} : vector<64x16xf32> to vector<64x1xf32>
    %get3A_77 = arith.constant 0 : index
    %get3A_78 = arith.constant 7 : index
    %get3A_79 = arith.constant 0 : index
    %get3A_80 = vector.load %arg3[%get3A_77, %get3A_78, %get3A_79] : memref<64x16x512xf32, #tpu.memory_space<vmem>>, vector<64x1x512xf32>
    %get3A_81 = vector.shape_cast %get3A_80 : vector<64x1x512xf32> to vector<64x512xf32>
    %mul3A_82 = vector.broadcast %slice3A_76 : vector<64x1xf32> to vector<64x512xf32>
    %mul3A_83 = arith.mulf %mul3A_82, %get3A_81 : vector<64x512xf32>
    %add3A_84 = arith.addf %add3A_75, %mul3A_83 : vector<64x512xf32>
    %slice3A_85 = vector.extract_strided_slice %mul3A_14 {offsets = [0, 8], sizes = [64, 1], strides = [1, 1]} : vector<64x16xf32> to vector<64x1xf32>
    %get3A_86 = arith.constant 0 : index
    %get3A_87 = arith.constant 8 : index
    %get3A_88 = arith.constant 0 : index
    %get3A_89 = vector.load %arg3[%get3A_86, %get3A_87, %get3A_88] : memref<64x16x512xf32, #tpu.memory_space<vmem>>, vector<64x1x512xf32>
    %get3A_90 = vector.shape_cast %get3A_89 : vector<64x1x512xf32> to vector<64x512xf32>
    %mul3A_91 = vector.broadcast %slice3A_85 : vector<64x1xf32> to vector<64x512xf32>
    %mul3A_92 = arith.mulf %mul3A_91, %get3A_90 : vector<64x512xf32>
    %add3A_93 = arith.addf %add3A_84, %mul3A_92 : vector<64x512xf32>
    %slice3A_94 = vector.extract_strided_slice %mul3A_14 {offsets = [0, 9], sizes = [64, 1], strides = [1, 1]} : vector<64x16xf32> to vector<64x1xf32>
    %get3A_95 = arith.constant 0 : index
    %get3A_96 = arith.constant 9 : index
    %get3A_97 = arith.constant 0 : index
    %get3A_98 = vector.load %arg3[%get3A_95, %get3A_96, %get3A_97] : memref<64x16x512xf32, #tpu.memory_space<vmem>>, vector<64x1x512xf32>
    %get3A_99 = vector.shape_cast %get3A_98 : vector<64x1x512xf32> to vector<64x512xf32>
    %mul3A_100 = vector.broadcast %slice3A_94 : vector<64x1xf32> to vector<64x512xf32>
    %mul3A_101 = arith.mulf %mul3A_100, %get3A_99 : vector<64x512xf32>
    %add3A_102 = arith.addf %add3A_93, %mul3A_101 : vector<64x512xf32>
    %slice3A_103 = vector.extract_strided_slice %mul3A_14 {offsets = [0, 10], sizes = [64, 1], strides = [1, 1]} : vector<64x16xf32> to vector<64x1xf32>
    %get3A_104 = arith.constant 0 : index
    %get3A_105 = arith.constant 10 : index
    %get3A_106 = arith.constant 0 : index
    %get3A_107 = vector.load %arg3[%get3A_104, %get3A_105, %get3A_106] : memref<64x16x512xf32, #tpu.memory_space<vmem>>, vector<64x1x512xf32>
    %get3A_108 = vector.shape_cast %get3A_107 : vector<64x1x512xf32> to vector<64x512xf32>
    %mul3A_109 = vector.broadcast %slice3A_103 : vector<64x1xf32> to vector<64x512xf32>
    %mul3A_110 = arith.mulf %mul3A_109, %get3A_108 : vector<64x512xf32>
    %add3A_111 = arith.addf %add3A_102, %mul3A_110 : vector<64x512xf32>
    %slice3A_112 = vector.extract_strided_slice %mul3A_14 {offsets = [0, 11], sizes = [64, 1], strides = [1, 1]} : vector<64x16xf32> to vector<64x1xf32>
    %get3A_113 = arith.constant 0 : index
    %get3A_114 = arith.constant 11 : index
    %get3A_115 = arith.constant 0 : index
    %get3A_116 = vector.load %arg3[%get3A_113, %get3A_114, %get3A_115] : memref<64x16x512xf32, #tpu.memory_space<vmem>>, vector<64x1x512xf32>
    %get3A_117 = vector.shape_cast %get3A_116 : vector<64x1x512xf32> to vector<64x512xf32>
    %mul3A_118 = vector.broadcast %slice3A_112 : vector<64x1xf32> to vector<64x512xf32>
    %mul3A_119 = arith.mulf %mul3A_118, %get3A_117 : vector<64x512xf32>
    %add3A_120 = arith.addf %add3A_111, %mul3A_119 : vector<64x512xf32>
    %slice3A_121 = vector.extract_strided_slice %mul3A_14 {offsets = [0, 12], sizes = [64, 1], strides = [1, 1]} : vector<64x16xf32> to vector<64x1xf32>
    %get3A_122 = arith.constant 0 : index
    %get3A_123 = arith.constant 12 : index
    %get3A_124 = arith.constant 0 : index
    %get3A_125 = vector.load %arg3[%get3A_122, %get3A_123, %get3A_124] : memref<64x16x512xf32, #tpu.memory_space<vmem>>, vector<64x1x512xf32>
    %get3A_126 = vector.shape_cast %get3A_125 : vector<64x1x512xf32> to vector<64x512xf32>
    %mul3A_127 = vector.broadcast %slice3A_121 : vector<64x1xf32> to vector<64x512xf32>
    %mul3A_128 = arith.mulf %mul3A_127, %get3A_126 : vector<64x512xf32>
    %add3A_129 = arith.addf %add3A_120, %mul3A_128 : vector<64x512xf32>
    %slice3A_130 = vector.extract_strided_slice %mul3A_14 {offsets = [0, 13], sizes = [64, 1], strides = [1, 1]} : vector<64x16xf32> to vector<64x1xf32>
    %get3A_131 = arith.constant 0 : index
    %get3A_132 = arith.constant 13 : index
    %get3A_133 = arith.constant 0 : index
    %get3A_134 = vector.load %arg3[%get3A_131, %get3A_132, %get3A_133] : memref<64x16x512xf32, #tpu.memory_space<vmem>>, vector<64x1x512xf32>
    %get3A_135 = vector.shape_cast %get3A_134 : vector<64x1x512xf32> to vector<64x512xf32>
    %mul3A_136 = vector.broadcast %slice3A_130 : vector<64x1xf32> to vector<64x512xf32>
    %mul3A_137 = arith.mulf %mul3A_136, %get3A_135 : vector<64x512xf32>
    %add3A_138 = arith.addf %add3A_129, %mul3A_137 : vector<64x512xf32>
    %slice3A_139 = vector.extract_strided_slice %mul3A_14 {offsets = [0, 14], sizes = [64, 1], strides = [1, 1]} : vector<64x16xf32> to vector<64x1xf32>
    %get3A_140 = arith.constant 0 : index
    %get3A_141 = arith.constant 14 : index
    %get3A_142 = arith.constant 0 : index
    %get3A_143 = vector.load %arg3[%get3A_140, %get3A_141, %get3A_142] : memref<64x16x512xf32, #tpu.memory_space<vmem>>, vector<64x1x512xf32>
    %get3A_144 = vector.shape_cast %get3A_143 : vector<64x1x512xf32> to vector<64x512xf32>
    %mul3A_145 = vector.broadcast %slice3A_139 : vector<64x1xf32> to vector<64x512xf32>
    %mul3A_146 = arith.mulf %mul3A_145, %get3A_144 : vector<64x512xf32>
    %add3A_147 = arith.addf %add3A_138, %mul3A_146 : vector<64x512xf32>
    %slice3A_148 = vector.extract_strided_slice %mul3A_14 {offsets = [0, 15], sizes = [64, 1], strides = [1, 1]} : vector<64x16xf32> to vector<64x1xf32>
    %get3A_149 = arith.constant 0 : index
    %get3A_150 = arith.constant 15 : index
    %get3A_151 = arith.constant 0 : index
    %get3A_152 = vector.load %arg3[%get3A_149, %get3A_150, %get3A_151] : memref<64x16x512xf32, #tpu.memory_space<vmem>>, vector<64x1x512xf32>
    %get3A_153 = vector.shape_cast %get3A_152 : vector<64x1x512xf32> to vector<64x512xf32>
    %mul3A_154 = vector.broadcast %slice3A_148 : vector<64x1xf32> to vector<64x512xf32>
    %mul3A_155 = arith.mulf %mul3A_154, %get3A_153 : vector<64x512xf32>
    %add3A_156 = arith.addf %add3A_147, %mul3A_155 : vector<64x512xf32>
    %reshape3A = vector.shape_cast %add3A_156 : vector<64x512xf32> to vector<64x8x64xf32>
    %broadcast_in_dim3A = arith.constant 0.000000e+00 : f32
    %broadcast_in_dim3A_157 = vector.broadcast %broadcast_in_dim3A : f32 to vector<71x64xf32>
    %slice3A_158 = vector.extract_strided_slice %reshape3A {offsets = [0, 0, 0], sizes = [64, 1, 64], strides = [1, 1, 1]} : vector<64x8x64xf32> to vector<64x1x64xf32>
    %squeeze3A = vector.shape_cast %slice3A_158 : vector<64x1x64xf32> to vector<64x64xf32>
    %jit3A = arith.constant 0 : i32
    %convert_element_type3A_159 = arith.sitofp %jit3A : i32 to f32
    %pad3A = vector.broadcast %convert_element_type3A_159 : f32 to vector<7x64xf32>
    %pad3A_160 = tpu.concatenate %squeeze3A, %pad3A in 0 : vector<64x64xf32>, vector<7x64xf32> -> vector<71x64xf32>
    %add3A_161 = arith.addf %broadcast_in_dim3A_157, %pad3A_160 : vector<71x64xf32>
    %slice3A_162 = vector.extract_strided_slice %reshape3A {offsets = [0, 1, 0], sizes = [64, 1, 64], strides = [1, 1, 1]} : vector<64x8x64xf32> to vector<64x1x64xf32>
    %squeeze3A_163 = vector.shape_cast %slice3A_162 : vector<64x1x64xf32> to vector<64x64xf32>
    %jit3A_164 = arith.constant 0 : i32
    %convert_element_type3A_165 = arith.sitofp %jit3A_164 : i32 to f32
    %pad3A_166 = vector.broadcast %convert_element_type3A_165 : f32 to vector<1x64xf32>
    %pad3A_167 = tpu.concatenate %pad3A_166, %squeeze3A_163 in 0 : vector<1x64xf32>, vector<64x64xf32> -> vector<65x64xf32>
    %pad3A_168 = vector.broadcast %convert_element_type3A_165 : f32 to vector<6x64xf32>
    %pad3A_169 = tpu.concatenate %pad3A_167, %pad3A_168 in 0 : vector<65x64xf32>, vector<6x64xf32> -> vector<71x64xf32>
    %add3A_170 = arith.addf %add3A_161, %pad3A_169 : vector<71x64xf32>
    %slice3A_171 = vector.extract_strided_slice %reshape3A {offsets = [0, 2, 0], sizes = [64, 1, 64], strides = [1, 1, 1]} : vector<64x8x64xf32> to vector<64x1x64xf32>
    %squeeze3A_172 = vector.shape_cast %slice3A_171 : vector<64x1x64xf32> to vector<64x64xf32>
    %jit3A_173 = arith.constant 0 : i32
    %convert_element_type3A_174 = arith.sitofp %jit3A_173 : i32 to f32
    %pad3A_175 = vector.broadcast %convert_element_type3A_174 : f32 to vector<2x64xf32>
    %pad3A_176 = tpu.concatenate %pad3A_175, %squeeze3A_172 in 0 : vector<2x64xf32>, vector<64x64xf32> -> vector<66x64xf32>
    %pad3A_177 = vector.broadcast %convert_element_type3A_174 : f32 to vector<5x64xf32>
    %pad3A_178 = tpu.concatenate %pad3A_176, %pad3A_177 in 0 : vector<66x64xf32>, vector<5x64xf32> -> vector<71x64xf32>
    %add3A_179 = arith.addf %add3A_170, %pad3A_178 : vector<71x64xf32>
    %slice3A_180 = vector.extract_strided_slice %reshape3A {offsets = [0, 3, 0], sizes = [64, 1, 64], strides = [1, 1, 1]} : vector<64x8x64xf32> to vector<64x1x64xf32>
    %squeeze3A_181 = vector.shape_cast %slice3A_180 : vector<64x1x64xf32> to vector<64x64xf32>
    %jit3A_182 = arith.constant 0 : i32
    %convert_element_type3A_183 = arith.sitofp %jit3A_182 : i32 to f32
    %pad3A_184 = vector.broadcast %convert_element_type3A_183 : f32 to vector<3x64xf32>
    %pad3A_185 = tpu.concatenate %pad3A_184, %squeeze3A_181 in 0 : vector<3x64xf32>, vector<64x64xf32> -> vector<67x64xf32>
    %pad3A_186 = vector.broadcast %convert_element_type3A_183 : f32 to vector<4x64xf32>
    %pad3A_187 = tpu.concatenate %pad3A_185, %pad3A_186 in 0 : vector<67x64xf32>, vector<4x64xf32> -> vector<71x64xf32>
    %add3A_188 = arith.addf %add3A_179, %pad3A_187 : vector<71x64xf32>
    %slice3A_189 = vector.extract_strided_slice %reshape3A {offsets = [0, 4, 0], sizes = [64, 1, 64], strides = [1, 1, 1]} : vector<64x8x64xf32> to vector<64x1x64xf32>
    %squeeze3A_190 = vector.shape_cast %slice3A_189 : vector<64x1x64xf32> to vector<64x64xf32>
    %jit3A_191 = arith.constant 0 : i32
    %convert_element_type3A_192 = arith.sitofp %jit3A_191 : i32 to f32
    %pad3A_193 = vector.broadcast %convert_element_type3A_192 : f32 to vector<4x64xf32>
    %pad3A_194 = tpu.concatenate %pad3A_193, %squeeze3A_190 in 0 : vector<4x64xf32>, vector<64x64xf32> -> vector<68x64xf32>
    %pad3A_195 = vector.broadcast %convert_element_type3A_192 : f32 to vector<3x64xf32>
    %pad3A_196 = tpu.concatenate %pad3A_194, %pad3A_195 in 0 : vector<68x64xf32>, vector<3x64xf32> -> vector<71x64xf32>
    %add3A_197 = arith.addf %add3A_188, %pad3A_196 : vector<71x64xf32>
    %slice3A_198 = vector.extract_strided_slice %reshape3A {offsets = [0, 5, 0], sizes = [64, 1, 64], strides = [1, 1, 1]} : vector<64x8x64xf32> to vector<64x1x64xf32>
    %squeeze3A_199 = vector.shape_cast %slice3A_198 : vector<64x1x64xf32> to vector<64x64xf32>
    %jit3A_200 = arith.constant 0 : i32
    %convert_element_type3A_201 = arith.sitofp %jit3A_200 : i32 to f32
    %pad3A_202 = vector.broadcast %convert_element_type3A_201 : f32 to vector<5x64xf32>
    %pad3A_203 = tpu.concatenate %pad3A_202, %squeeze3A_199 in 0 : vector<5x64xf32>, vector<64x64xf32> -> vector<69x64xf32>
    %pad3A_204 = vector.broadcast %convert_element_type3A_201 : f32 to vector<2x64xf32>
    %pad3A_205 = tpu.concatenate %pad3A_203, %pad3A_204 in 0 : vector<69x64xf32>, vector<2x64xf32> -> vector<71x64xf32>
    %add3A_206 = arith.addf %add3A_197, %pad3A_205 : vector<71x64xf32>
    %slice3A_207 = vector.extract_strided_slice %reshape3A {offsets = [0, 6, 0], sizes = [64, 1, 64], strides = [1, 1, 1]} : vector<64x8x64xf32> to vector<64x1x64xf32>
    %squeeze3A_208 = vector.shape_cast %slice3A_207 : vector<64x1x64xf32> to vector<64x64xf32>
    %jit3A_209 = arith.constant 0 : i32
    %convert_element_type3A_210 = arith.sitofp %jit3A_209 : i32 to f32
    %pad3A_211 = vector.broadcast %convert_element_type3A_210 : f32 to vector<6x64xf32>
    %pad3A_212 = tpu.concatenate %pad3A_211, %squeeze3A_208 in 0 : vector<6x64xf32>, vector<64x64xf32> -> vector<70x64xf32>
    %pad3A_213 = vector.broadcast %convert_element_type3A_210 : f32 to vector<1x64xf32>
    %pad3A_214 = tpu.concatenate %pad3A_212, %pad3A_213 in 0 : vector<70x64xf32>, vector<1x64xf32> -> vector<71x64xf32>
    %add3A_215 = arith.addf %add3A_206, %pad3A_214 : vector<71x64xf32>
    %slice3A_216 = vector.extract_strided_slice %reshape3A {offsets = [0, 7, 0], sizes = [64, 1, 64], strides = [1, 1, 1]} : vector<64x8x64xf32> to vector<64x1x64xf32>
    %squeeze3A_217 = vector.shape_cast %slice3A_216 : vector<64x1x64xf32> to vector<64x64xf32>
    %jit3A_218 = arith.constant 0 : i32
    %convert_element_type3A_219 = arith.sitofp %jit3A_218 : i32 to f32
    %pad3A_220 = vector.broadcast %convert_element_type3A_219 : f32 to vector<7x64xf32>
    %pad3A_221 = tpu.concatenate %pad3A_220, %squeeze3A_217 in 0 : vector<7x64xf32>, vector<64x64xf32> -> vector<71x64xf32>
    %add3A_222 = arith.addf %add3A_215, %pad3A_221 : vector<71x64xf32>
    %slice3A_223 = vector.extract_strided_slice %add3A_222 {offsets = [0, 0], sizes = [64, 64], strides = [1, 1]} : vector<71x64xf32> to vector<64x64xf32>
    %get3A_224 = arith.constant 0 : index
    %get3A_225 = arith.constant 0 : index
    %get3A_226 = vector.load %arg5[%get3A_224, %get3A_225] : memref<8x64xf32, #tpu.memory_space<vmem>>, vector<7x64xf32>
    %jit3A_227 = arith.constant 0 : i32
    %convert_element_type3A_228 = arith.sitofp %jit3A_227 : i32 to f32
    %pad3A_229 = vector.broadcast %convert_element_type3A_228 : f32 to vector<57x64xf32>
    %pad3A_230 = tpu.concatenate %get3A_226, %pad3A_229 in 0 : vector<7x64xf32>, vector<57x64xf32> -> vector<64x64xf32>
    %add3A_231 = arith.addf %slice3A_223, %pad3A_230 : vector<64x64xf32>
    %swap3A = arith.constant 0 : index
    %swap3A_232 = arith.constant 0 : index
    %swap3A_233 = vector.load %arg4[%swap3A, %swap3A_232] : memref<64x64xf32, #tpu.memory_space<vmem>>, vector<64x64xf32>
    tpu.vector_store %arg4[%swap3A, %swap3A_232], %add3A_231 {strides = array<i32>} : memref<64x64xf32, #tpu.memory_space<vmem>>, vector<64x64xf32>,
    %slice3A_234 = vector.extract_strided_slice %add3A_222 {offsets = [64, 0], sizes = [7, 64], strides = [1, 1]} : vector<71x64xf32> to vector<7x64xf32>
    %swap3A_235 = arith.constant 0 : index
    %swap3A_236 = arith.constant 0 : index
    %swap3A_237 = vector.load %arg5[%swap3A_235, %swap3A_236] : memref<8x64xf32, #tpu.memory_space<vmem>>, vector<7x64xf32>
    tpu.vector_store %arg5[%swap3A_235, %swap3A_236], %slice3A_234 {strides = array<i32>} : memref<8x64xf32, #tpu.memory_space<vmem>>, vector<7x64xf32>,
    return
  }
  func.func @transform_0(%arg0: i32) -> (i32, i32) {
    %c0_i32 = arith.constant 0 : i32
    %c0_i32_0 = arith.constant 0 : i32
    return %arg0, %c0_i32 : i32, i32
  }
  func.func @transform_1(%arg0: i32) -> (i32, i32) {
    %c0_i32 = arith.constant 0 : i32
    %c0_i32_0 = arith.constant 0 : i32
    return %arg0, %c0_i32 : i32, i32
  }
  func.func @transform_2(%arg0: i32) -> (i32, i32, i32) {
    %c0_i32 = arith.constant 0 : i32
    %c0_i32_0 = arith.constant 0 : i32
    %c0_i32_1 = arith.constant 0 : i32
    return %arg0, %c0_i32, %c0_i32_0 : i32, i32, i32
  }
  func.func @transform_3(%arg0: i32) -> (i32, i32) {
    %c0_i32 = arith.constant 0 : i32
    %c0_i32_0 = arith.constant 0 : i32
    return %arg0, %c0_i32 : i32, i32
  }
}

</mosaic_0001>

<sc_bundles>
// kernel: kernel.4.cloned.1.call-start
scs
__scs_entry_jumppad:
0x0: {  	(pc) =	sbr.rel $0x88, $3  }
0x1: {  	(tag) =	ssettag $0x0;
	lr =	simm.s32 $0x1  }
0x2: {  	[smem:$0x3F9E] =	sst lr;
	_ =	strace $0xD0000000  }
0x3: {  	_ = 	snop  }
0x4: {  	_ = 	snop  }
0x5: {  	_ = 	snop  }
0x6: {  	_ = 	snop  }
0x7: {  	_ = 	snop  }
__scs_overlays_trampoline_lowered:
0x8: {  	[smem:$0x3FAD] =	sst s0  }
0x9: {  	[smem:$0x3FAE] =	sst s1  }
0xa: {  	[smem:$0x3FAF] =	sst s2  }
0xb: {  	[smem:$0x3FB0] =	sst s3  }
0xc: {  	[smem:$0x3FB1] =	sst s4  }
0xd: {  	[smem:$0x3FB2] =	sst s5  }
0xe: {  	[smem:$0x3FB3] =	sst s6  }
0xf: {  	[smem:$0x3FB4] =	sst s7  }
0x10: {  	[smem:$0x3FB5] =	sst s8  }
0x11: {  	[smem:$0x3FB6] =	sst s9;
	s0 =	simm.s32 @!p0 $0x0  }
0x12: {  	s1 =	sld [smem:$0x3F9C];
	s0 =	simm.s32 @p0 $0x1  }
0x13: {  	[smem:$0x3FB7] =	sst s0;
	s0 =	simm.s32 @!p1 $0x0  }
0x14: {  	s2 =	sld [smem:$0x3F9B];
	s0 =	simm.s32 @p1 $0x1  }
0x15: {  	[smem:$0x3FB8] =	sst s0;
	s0 =	simm.s32 @!p2 $0x0  }
0x16: {  	s3 =	sld [smem:$0x3FDB];
	s0 =	simm.s32 @p2 $0x1  }
0x17: {  	s4 =	simm.s32 $0x1BF5;
	[smem:$0x3FBA] =	sst s0  }
0x18: {  	s0 =	sld [smem:$0x3F9D];
	_ =	swait.ge [sflag:s4], $0x0  }
0x19: {  	s7 =	sld [smem:$0x3F9E]  }
0x1a: {  	s8 =	sadd.s32 $0xFFFFE003, lr  }
0x1b: {  	s9 =	sadd.s32 $0xFFFFFEF7, lr;
	s5 =	simm.s32 $0xFFFFFFFF;
	p2 =	slt.u32 s8, $0xFFFFF086  }
0x1c: {  	p1 =	slt.u32 s9, $0xF7A;
	s5 =	simm.s32 @!p2 $0x0  }
0x1d: {  	s5 =	simm.s32 @p1 $0x1;
	p0 =	seq.s32 s7, s2  }
0x1e: {  	s7 =	smul.u32 @!p0 $0xF7A, s2;
	p2 =	seq.s32 @!p0 s5, $0x0  }
0x1f: {  	s9 =	smul.u32 $0xF7A, s1;
	s8 =	simm.s32 @!p0 $0x1BF5;
	p2 =	por !p2, p0  }
0x20: {  	[sflag:s8] =	ssyncset.s32 @!p0 $0xFFFFF086;
	s6 =	sadd.s32 @!p0 s3, s7;
	s7 =	simm.s32 @!p0 $0x108  }
0x21: {  	s3 =	sadd.s32 s3, s9;
	s6 =	sadd.s32 @!p0 $0x88, s6;
	s7 =	simm.s32 @p2 $0x1082  }
0x22: {  	[simem:s7], [sflag:s8] =	dma.local @!p0 [hbm:s6], $0xF7A  }
0x23: {  	s9 =	sor.u32 $0xD0000000, s2;
	s6 =	simm.s32 $0x108;
	_ =	swait.ge @!p0 [sflag:s8], $0x0  }
0x24: {  	s3 =	sadd.s32 $0x88, s3;
	s6 =	simm.s32 @!p1 $0x1082;
	[sflag:s4] =	ssyncset.s32 $0xFFFFF086  }
0x25: {  	[simem:s6], [sflag:s4] =	dma.local [hbm:s3], $0xF7A  }
0x26: {  	[smem:$0x3F9E] =	sst s1;
	(tag) =	ssettag s2;
	_ =	strace s9  }
0x27: {  	s1 =	sld [smem:$0x3FAE]  }
0x28: {  	s2 =	sld [smem:$0x3FAF]  }
0x29: {  	s4 =	sld [smem:$0x3FB1]  }
0x2a: {  	p0 =	seq.s32 s5, $0x0;
	s5 =	sld [smem:$0x3FB2]  }
0x2b: {  	s6 =	sld [smem:$0x3FB3]  }
0x2c: {  	s7 =	sld [smem:$0x3FB4]  }
0x2d: {  	s3 =	simm.s32 $0x108;
	s8 =	sld [smem:$0x3FB5]  }
0x2e: {  	s3 =	simm.s32 @!p0 $0x1082;
	s9 =	sld [smem:$0x3FB6]  }
0x2f: {  	lr =	sadd.s32 s0, s3;
	s0 =	sld [smem:$0x3FAD]  }
0x30: {  	s3 =	sld [smem:$0x3FB0]  }
0x31: {  	[smem:$0x3FB9] =	sst s10  }
0x32: {  	s10 =	sld [smem:$0x3FB7];
	_ =	sdelay $0x3  }
0x33: {  	p0 =	seq.s32 s10, $0x1;
	s10 =	sld [smem:$0x3FB9];
	_ =	sdelay $0x3  }
0x34: {  	[smem:$0x3FB9] =	sst s10  }
0x35: {  	s10 =	sld [smem:$0x3FB8];
	_ =	sdelay $0x3  }
0x36: {  	p1 =	seq.s32 s10, $0x1;
	s10 =	sld [smem:$0x3FB9];
	_ =	sdelay $0x3  }
0x37: {  	[smem:$0x3FB9] =	sst s10  }
0x38: {  	s10 =	sld [smem:$0x3FBA]  }
0x39: {  	_ = 	snop;
	(pc) =	sbr.ind lr, $3  }
0x3a: {  	_ = 	snop  }
0x3b: {  	_ = 	snop  }
0x3c: {  	p2 =	seq.s32 s10, $0x1;
	s10 =	sld [smem:$0x3FB9]  }
0x3d: {  	_ =	shalt  }
0x3e: {  	_ =	shalt  }
0x3f: {  	_ =	shalt  }
0x40: {  	_ =	shalt  }
0x41: {  	_ =	shalt  }
0x42: {  	_ =	shalt  }
0x43: {  	_ =	shalt  }
0x44: {  	_ =	shalt  }
0x45: {  	_ =	shalt  }
0x46: {  	_ =	shalt  }
0x47: {  	_ =	shalt  }
0x48: {  	_ =	shalt  }
0x49: {  	_ =	shalt  }
0x4a: {  	_ =	shalt  }
0x4b: {  	_ =	shalt  }
0x4c: {  	_ =	shalt  }
0x4d: {  	_ =	shalt  }
0x4e: {  	_ =	shalt  }
0x4f: {  	_ =	shalt  }
0x50: {  	_ =	shalt  }
0x51: {  	_ =	shalt  }
0x52: {  	_ =	shalt  }
0x53: {  	_ =	shalt  }
0x54: {  	_ =	shalt  }
0x55: {  	_ =	shalt  }
0x56: {  	_ =	shalt  }
0x57: {  	_ =	shalt  }
0x58: {  	_ =	shalt  }
0x59: {  	_ =	shalt  }
0x5a: {  	_ =	shalt  }
0x5b: {  	_ =	shalt  }
0x5c: {  	_ =	shalt  }
0x5d: {  	_ =	shalt  }
0x5e: {  	_ =	shalt  }
0x5f: {  	_ =	shalt  }
0x60: {  	_ =	shalt  }
0x61: {  	_ =	shalt  }
0x62: {  	_ =	shalt  }
0x63: {  	_ =	shalt  }
0x64: {  	_ =	shalt  }
0x65: {  	_ =	shalt  }
0x66: {  	_ =	shalt  }
0x67: {  	_ =	shalt  }
0x68: {  	_ =	shalt  }
0x69: {  	_ =	shalt  }
0x6a: {  	_ =	shalt  }
0x6b: {  	_ =	shalt  }
0x6c: {  	_ =	shalt  }
0x6d: {  	_ =	shalt  }
0x6e: {  	_ =	shalt  }
0x6f: {  	_ =	shalt  }
0x70: {  	_ =	shalt  }
0x71: {  	_ =	shalt  }
0x72: {  	_ =	shalt  }
0x73: {  	_ =	shalt  }
0x74: {  	_ =	shalt  }
0x75: {  	_ =	shalt  }
0x76: {  	_ =	shalt  }
0x77: {  	_ =	shalt  }
0x78: {  	_ =	shalt  }
0x79: {  	_ =	shalt  }
0x7a: {  	_ =	shalt  }
0x7b: {  	_ =	shalt  }
0x7c: {  	_ =	shalt  }
0x7d: {  	_ =	shalt  }
0x7e: {  	_ =	shalt  }
0x7f: {  	_ =	shalt  }
0x80: {  	_ =	shalt  }
0x81: {  	_ =	shalt  }
0x82: {  	_ =	shalt  }
0x83: {  	_ =	shalt  }
0x84: {  	_ =	shalt  }
0x85: {  	_ =	shalt  }
0x86: {  	_ =	shalt  }
0x87: {  	_ =	shalt  }
.Lfunc_end0:
.L_simem_size_0:
called_computation_lowered:
.L_overlay_start_0:
0x88: {  	s2 =	sld [smem:$0x3FD9]  }
0x89: {  	s3 =	sld [smem:$0x3FFE];
	_ =	sdelay $0x1  }
0x8a: {  	s1 =	srdreg.scid  }
0x8b: {  	s0 =	sand.u32 $0x1, s1  }
0x8c: {  	s17 =	sshll.u32 s0, $0xA;
	s2 =	sadd.s32 s3, s2  }
0x8d: {  	s2 =	sadd.s32 s2, s17  }
0x8e: {  	[smem:$0x3FC5] =	sst s2  }
0x8f: {  	_ = 	snop  }
0x90: {  	s2 =	sld [smem:$0x3FC7];
	(tm) =	ssettm $0x1  }
0x91: {  	s18 =	sld [smem:$0x3FFB];
	_ =	sdelay $0x3  }
0x92: {  	_ =	strace s18  }
0x93: {  	s3 =	sld [smem:$0x3FFC];
	_ =	sdelay $0x3  }
0x94: {  	_ =	strace s3  }
0x95: {  	s3 =	sld [smem:$0x3FFD];
	_ =	sdelay $0x3  }
0x96: {  	_ =	strace s3  }
0x97: {  	_ =	strace $0x8FFFFFFF  }
0x98: {  	s19 =	sld [smem:$0x3FDB];
	_ =	sdelay $0x1  }
0x99: {  	s4 =	simm.s32 $_scs_section_size  }
0x9a: {  	s5 =	simm.s32 $_size__tile_overlayer_lowered;
	s6 =	simm.s32 $_tile_overlayer_lowered  }
0x9b: {  	s22 =	simm.s32 $0x1BFF;
	s21 =	sshll.u32 s6, $0x1;
	s3 =	sadd.s32 s4, s19  }
0x9c: {  	s7 =	simm.s32 $0x0;
	s20 =	sshll.u32 s5, $0x1;
	s5 =	sadd.s32 s21, s3  }
0x9d: {  	[timem:s7], [sflag:s22] =	dma.local [hbm:s5], s20  }
0x9e: {  	_ =	swait.ge [sflag:s22], s20  }
0x9f: {  	s4 =	ssub.s32 $0x0, s20;
	[sflag:s22] =	ssyncset.done $0x0  }
0xa0: {  	[sflag:s22] =	ssyncadd.s32 s4;
	_ =	sdelay $0x1  }
0xa1: {  	s23 =	simm.s32 $0x1B8B  }
0xa2: {  	_ =	swait.ge [sflag:s23], $0x1  }
0xa3: {  	[sflag:s23] =	ssyncset.done $0x0  }
0xa4: {  	s25 =	simm.s32 $0x1B8E;
	s24 =	sld [smem:$0x3FFE];
	[sflag:s23] =	ssyncadd.s32 $0xFFFFFFFF  }
0xa5: {  	s26 =	simm.s32 $execute0_lowered;
	[smem:$0x3FD2] =	sst s25  }
0xa6: {  	s5 =	sshll.u32 s26, $0x1;
	_ =	strace $0x80000046;
	[dreg:$0x1] =	wrdreg $0xFFFFFFFF  }
0xa7: {  	s28 =	simm.s32 $_size_execute0_lowered;
	s3 =	sadd.s32 s3, s5;
	[dreg:$0x0] =	wrdreg $0x0  }
0xa8: {  	s5 =	sshll.u32 s28, $0x1;
	[dreg:$0x2] =	wrdreg s3  }
0xa9: {  	[dreg:$0x3] =	wrdreg s5  }
0xaa: {  	[dreg:$0x4] =	wrdreg $0xC0  }
0xab: {  	_ =	task [dreg:s7], $0x5FFFF  }
0xac: {  	[dreg:$0x1] =	wrdreg $0xFFFFFFFF  }
0xad: {  	[dreg:$0x0] =	wrdreg $0x60  }
0xae: {  	[dreg:$0x2] =	wrdreg s24  }
0xaf: {  	[dreg:$0x3] =	wrdreg s2  }
0xb0: {  	[dreg:$0x4] =	wrdreg $0x9  }
0xb1: {  	_ =	task.clear_ibuf [dreg:s7], $0x5FFFF;
	_ =	strace $0x90000046  }
0xb2: {  	s29 =	simm.s32 $0x9;
	_ =	strace $0x80000048  }
0xb3: {  	_ =	swait.ge [sflag:s29], $0x1  }
0xb4: {  	[sflag:s29] =	ssyncadd.s32 $0xFFFFFFFF  }
0xb5: {  	_ =	strace $0x90000048  }
0xb6: {  	_ =	sfence  }
0xb7: {  	s30 =	sld [smem:$0x0];
	_ =	sdelay $0x2  }
0xb8: {  	s31 =	sshll.u32 s1, $0xD;
	s1 =	sshrl.u32 s1, $0x2  }
0xb9: {  	s3 =	sand.u32 $0x4000, s31;
	s1 =	sadd.s32 s1, s30  }
0xba: {  	s0 =	sor.u32 s3, s0;
	s1 =	sshll.u32 s1, $0x11  }
0xbb: {  	s0 =	sor.u32 s1, s0  }
0xbc: {  	s0 =	sadd.s32 $0x8F2B, s0  }
0xbd: {  	[sflag:s0] =	ssyncadd.remote.s32 $0x1  }
0xbe: {  	_ =	sfence.sel $0xFFFF  }
0xbf: {  	[dreg:$0x0] =	wrdreg $0xFFFFFFFF;
	(pc) =	sbr.abs _section_cstart, $3  }
0xc0: {  	[dreg:$0x1] =	wrdreg $0xFFFFFFFF  }
0xc1: {  	_ =	task.clear_ibuf [dreg:s7], $0x2FFFF;
	_ =	strace $0x9FFFFFFF  }
0xc2: {  	(tm) =	ssettm $0x7FFFFFFF  }
0xc3: {  	_ =	shalt  }
tec
execute0_lowered:
.L_overlay_start_1:
0x0: {  	(tag) =	ssettag $0x1  }
0x1: {  	s0 =	srdreg.scid;
	s1 =	rddreg [dreg:$0x0]  }
0x2: {  	s4 =	stileid.u32;
	s2 =	rddreg [dreg:$0x1];
	s13 =	simm.s32 $0x3  }
0x3: {  	s17 =	simm.s32 $0x1;
	s18 =	simm.s32 $0x2;
	s0 =	sand.u32 $0x1, s0  }
0x4: {  	s19 =	simm.s32 $0x0;
	s3 =	sshll.u32 s0, $0x4;
	s0 =	ssub.s32 $0x2, s0  }
0x5: {  	s14 =	sor.u32 s4, s3;
	s3 =	simm.s32 $0x0;
	s7 =	sshrl.u32 s0, $0x1  }
0x6: {  	s9 =	sshll.u32 s14, $0x6;
	[smem:$0x7FF] =	sst s3;
	s30 =	sshll.u32 s14, $0x9  }
0x7: {  	s0 =	ssub.s32 s0, s7;
	s31 =	sshll.u32 s14, $0x10;
	p0 =	seq.s32 s14, $0x1F  }
0x8: {  	s4 =	sadd.s32 $0x7F8, s9;
	_ =	strace $0x80000047;
	s10 =	sadd.s32 s30, s1  }
0x9: {  	s11 =	sadd.s32 s31, s2;
	s9 =	sadd.s32 $0x840, s9;
	s12 =	smax.u32 s0, $0x1  }
0xa: {  	s5 =	sshll.u32 s4, $0x4;
	s8 =	sshll.u32 s4, $0xA;
	s10 =	sadd.s32 $0x20A00, s10  }
0xb: {  	s6 =	sadd.s32 s5, s1;
	s7 =	sadd.s32 s2, s8;
	s8 =	sadd.s32 $0x1FF000, s11  }
0xc: {  	v0 =	vimm.f32 $0.0e+00;
	s11 =	sadd.s32 $0x24800, s1;
	s5 =	sadd.s32 $0xA00, s6;
	s6 =	sadd.s32 $0x10A00, s6  }
.LBB2_1:
0xd: {  	[tilespmem:s3], [sflag:$0x3] =	stream.linear.gather [hbm4b:s5+s3], $0x2400, $0x38;
	[tilespmem:$0x18000] =	vst v63  }
0xe: {  	_ =	swait.ge [sflag:s13], $0x2400  }
0xf: {  	[sflag:s13] =	ssyncset.done $0x0  }
0x10: {  	s0 =	simm.s32 $0x2400;
	[sflag:s13] =	ssyncadd.s32 $0xFFFFDC00  }
0x11: {  	[tilespmem:s0], [sflag:$0x3] =	stream.linear.gather [hbm4b:s6+s3], $0x2400, $0x38;
	[tilespmem:$0x18000] =	vst v63  }
0x12: {  	_ =	swait.ge [sflag:s13], $0x2400  }
0x13: {  	[sflag:s13] =	ssyncset.done $0x0  }
0x14: {  	s14 =	simm.s32 $0x0;
	[sflag:s13] =	ssyncadd.s32 $0xFFFFDC00  }
0x15: {  	v4 =	vld [tilespmem:s14+$0x2400];
	_ =	sdelay $0x4  }
0x16: {  	v1 =	vadd.f32 $1.500000000e+00, v4  }
0x17: {  	s0 =	simm.s32 $0x80  }
0x18: {  	(erf) = vrcp.f32 v1;
	v1 =	vld [tilespmem:s0+$0x2400];
	_ =	sdelay $0x4  }
0x19: {  	s1 =	simm.s32 $0x100;
	v3 =	vadd.f32 $1.500000000e+00, v1  }
0x1a: {  	v2 =	vld [tilespmem:s1+$0x2400]  }
0x1b: {  	(erf) = vrcp.f32 v3  }
0x1c: {  	v3 =	vld [tilespmem:s14+$0x0]  }
0x1d: {  	v4 =	vmul.f32 $1.500000000e+00, v4  }
0x1e: {  	s20 =	simm.s32 $0x600;
	v5 =	vpop (erf)  }
.LBB2_2:
0x1f: {  	s15 =	sshra.s32 s20, $0x2;
	p1 =	sne.s32 s20, $0x8E00;
	s20 =	sadd.s32 $0x200, s20;
	v6 =	vadd.f32 $1.500000000e+00, v2;
	v4 =	vmul.f32 v5, v4;
	v5 =	vmov v2  }
.Ltmp0:
0x20: {  	v2 =	vld [tilespmem:s15+$0x2400];
	(pc) =	sbr.rel @p1 .LBB2_2-.Ltmp0, $4  }
0x21: {  	(erf) = vrcp.f32 v6;
	v6 =	vmul.f32 v4, v3  }
0x22: {  	v3 =	vld [tilespmem:s0+$0x0]  }
0x23: {  	v4 =	vmul.f32 $1.500000000e+00, v1;
	v1 =	vmov v5;
	[tilespmem:s14+$0x4800] =	vst v6;
	s14 =	smov.u32 s0;
	s0 =	smov.u32 s1;
	s1 =	smov.u32 s15  }
0x24: {  	v5 =	vpop (erf)  }
0x25: {  	v6 =	vadd.f32 $1.500000000e+00, v2;
	_ =	sdelay $0x1  }
0x26: {  	(erf) = vrcp.f32 v6;
	_ =	sdelay $0x1  }
0x27: {  	v4 =	vmul.f32 v5, v4;
	_ =	sdelay $0x1  }
0x28: {  	v3 =	vmul.f32 v4, v3;
	_ =	sdelay $0x1  }
0x29: {  	v61 =	vld [tilespmem:s0+$0x0];
	[tilespmem:s14+$0x4800] =	vst v3  }
0x2a: {  	v1 =	vmul.f32 $1.500000000e+00, v1;
	v3 =	vld [tilespmem:s1+$0x0]  }
0x2b: {  	v2 =	vmul.f32 $1.500000000e+00, v2;
	v62 =	vpop (erf)  }
0x2c: {  	v1 =	vmul.f32 v62, v1;
	v63 =	vpop (erf)  }
0x2d: {  	v2 =	vmul.f32 v63, v2  }
0x2e: {  	v1 =	vmul.f32 v1, v61  }
0x2f: {  	v2 =	vmul.f32 v2, v3  }
0x30: {  	[tilespmem:s0+$0x4800] =	vst v1  }
0x31: {  	s0 =	simm.s32 $0x40;
	[tilespmem:s1+$0x4800] =	vst v2;
	s1 =	simm.s32 $0x0  }
.LBB2_4:
0x32: {  	p1 =	sne.s32 s0, $0x4FC0;
	[tilespmem:s1+$0x16C00] =	vst v0;
	s1 =	smov.u32 s0;
	s0 =	sadd.s32 $0x40, s0  }
.Ltmp1:
0x33: {  	(pc) =	sbr.rel @p1 .LBB2_4-.Ltmp1, $2  }
0x34: {  	_ =	sdelay $0x2  }
0x35: {  	s1 =	sshra.s32 s1, $0x2  }
0x36: {  	[tilespmem:s1+$0x16C00] =	vst v0;
	s20 =	simm.s32 $0x0;
	s0 =	simm.s32 $0x6C00  }
0x37: {  	[tilespmem:s0], [sflag:$0x1] =	stream.linear.gather [hbm4b:s7+s20], $0x8000, $0x38;
	[tilespmem:$0x18000] =	vst v63  }
0x38: {  	s31 =	simm.s32 $0xEC00  }
0x39: {  	[tilespmem:s31], [sflag:$0x2] =	stream.linear.gather [hbm4b:s8+s20], $0x8000, $0x38;
	[tilespmem:$0x18000] =	vst v63  }
.LBB2_6:
0x3a: {  	_ =	swait.ge [sflag:s17], $0x8000  }
0x3b: {  	s0 =	sshll.u32 s20, $0x3;
	[sflag:s17] =	ssyncset.done $0x0  }
0x3c: {  	s22 =	simm.s32 $0x0;
	s21 =	sadd.s32 s4, s0;
	[sflag:s17] =	ssyncadd.s32 $0xFFFF8000  }
.LBB2_7:
0x3d: {  	s0 =	sor.u32 s21, s22;
	s1 =	sshll.u32 s22, $0xD  }
0x3e: {  	s30 =	simm.s32 $0x0;
	s24 =	ssub.s32 s0, s4;
	s29 =	sand.u32 $0x3FFFE000, s1  }
0x3f: {  	s31 =	sand.u32 $0x1000, s30;
	s14 =	sshll.u32 s24, $0x9;
	s23 =	sadd.s32 $0x6C00, s29  }
0x40: {  	s15 =	sand.u32 $0x380, s30;
	s14 =	sshra.s32 s14, $0x2;
	s0 =	sadd.s32 s31, s23  }
0x41: {  	v1 =	vld [tilespmem:s14+$0x4800];
	s25 =	sadd.s32 s15, s0  }
0x42: {  	v2 =	vld [tilespmem:s25+$0x470]  }
0x43: {  	v4 =	vld [tilespmem:s25+$0x0]  }
0x44: {  	v5 =	vld [tilespmem:s25+$0x10]  }
0x45: {  	v6 =	vld [tilespmem:s25+$0x20]  }
0x46: {  	v7 =	vld [tilespmem:s25+$0x30]  }
0x47: {  	v15 =	vld [tilespmem:s25+$0x60]  }
0x48: {  	v3 =	vmov s30;
	v16 =	vld [tilespmem:s25+$0x70]  }
0x49: {  	v8 =	vld [tilespmem:s25+$0x40];
	v3 =	vperm.xlane v1, v3  }
0x4a: {  	v11 =	vimm.f32 $0.0e+00;
	v9 =	vld [tilespmem:s25+$0x50]  }
0x4b: {  	v18 =	vimm.f32 $0.0e+00;
	v2 =	vmul.f32 v2, v3;
	v4 =	vmul.f32 v4, v3  }
0x4c: {  	v17 =	vimm.f32 $0.0e+00;
	v5 =	vmul.f32 v5, v3;
	v24 =	vmul.f32 v15, v3  }
0x4d: {  	v25 =	vmul.f32 v16, v3;
	v16 =	vimm.f32 $0.0e+00;
	v2 =	vadd.f32 v2, v11  }
0x4e: {  	v23 =	vld [tilespmem:s25+$0x400];
	v14 =	vadd.f32 v4, v11;
	v4 =	vmul.f32 v6, v3;
	v6 =	vmul.f32 v7, v3  }
0x4f: {  	v22 =	vld [tilespmem:s25+$0x410];
	v12 =	vadd.f32 v5, v11;
	v5 =	vmul.f32 v8, v3;
	v7 =	vmul.f32 v9, v3  }
0x50: {  	v21 =	vld [tilespmem:s25+$0x420];
	v15 =	vimm.f32 $0.0e+00;
	v13 =	vadd.f32 v4, v11;
	v10 =	vadd.f32 v6, v11  }
0x51: {  	s26 =	simm.s32 $0x1;
	s28 =	simm.s32 $0x200;
	v19 =	vld [tilespmem:s25+$0x430];
	v9 =	vimm.f32 $0.0e+00;
	v8 =	vadd.f32 v5, v11;
	v7 =	vadd.f32 v7, v11  }
0x52: {  	s1 =	simm.s32 $0x2;
	s14 =	sand.u32 $0x1000, s28;
	s0 =	simm.s32 $0x80;
	v20 =	vld [tilespmem:s25+$0x440];
	v6 =	vimm.f32 $0.0e+00;
	v5 =	vimm.f32 $0.0e+00;
	v4 =	vimm.f32 $0.0e+00  }
.LBB2_8:
0x53: {  	p1 =	sne.s32 s1, $0xF;
	s15 =	sand.u32 $0x380, s0;
	s14 =	sadd.s32 s14, s23;
	v11 =	vadd.f32 v24, v11;
	v23 =	vmul.f32 v23, v3;
	v24 =	vld [tilespmem:s25+$0x450]  }
0x54: {  	v18 =	vadd.f32 v25, v18;
	v22 =	vmul.f32 v22, v3;
	v25 =	vld [tilespmem:s25+$0x460];
	s25 =	sadd.s32 s15, s14  }
0x55: {  	v26 =	vld [tilespmem:s25+$0x470];
	v17 =	vadd.f32 v23, v17;
	v21 =	vmul.f32 v21, v3  }
0x56: {  	v23 =	vld [tilespmem:s25+$0x0];
	v16 =	vadd.f32 v22, v16;
	v19 =	vmul.f32 v19, v3  }
0x57: {  	v22 =	vmov s26;
	s26 =	smov.u32 s1;
	v27 =	vld [tilespmem:s25+$0x10];
	v15 =	vadd.f32 v21, v15;
	v20 =	vmul.f32 v20, v3  }
0x58: {  	v21 =	vperm.xlane v1, v22;
	v22 =	vld [tilespmem:s25+$0x20];
	v9 =	vadd.f32 v19, v9;
	v19 =	vmul.f32 v24, v3  }
0x59: {  	v24 =	vld [tilespmem:s25+$0x30];
	v6 =	vadd.f32 v20, v6;
	v20 =	vmul.f32 v25, v3  }
0x5a: {  	v3 =	vmov v21;
	v25 =	vld [tilespmem:s25+$0x40];
	v26 =	vmul.f32 v26, v21;
	v5 =	vadd.f32 v19, v5  }
0x5b: {  	v19 =	vmul.f32 v23, v3;
	v21 =	vld [tilespmem:s25+$0x50];
	v4 =	vadd.f32 v20, v4  }
0x5c: {  	v20 =	vmul.f32 v27, v3;
	v27 =	vld [tilespmem:s25+$0x60];
	v2 =	vadd.f32 v26, v2  }
0x5d: {  	v14 =	vadd.f32 v19, v14;
	v19 =	vmul.f32 v22, v3;
	v26 =	vld [tilespmem:s25+$0x70]  }
.Ltmp2:
0x5e: {  	v12 =	vadd.f32 v20, v12;
	v20 =	vmul.f32 v24, v3;
	v23 =	vld [tilespmem:s25+$0x400];
	(pc) =	sbr.rel @p1 .LBB2_8-.Ltmp2, $4  }
0x5f: {  	v13 =	vadd.f32 v19, v13;
	v19 =	vmul.f32 v25, v3;
	v22 =	vld [tilespmem:s25+$0x410]  }
0x60: {  	v10 =	vadd.f32 v20, v10;
	v20 =	vmul.f32 v21, v3;
	v21 =	vld [tilespmem:s25+$0x420]  }
0x61: {  	s28 =	sadd.s32 $0x200, s28;
	v8 =	vadd.f32 v19, v8;
	v24 =	vmul.f32 v27, v3;
	v19 =	vld [tilespmem:s25+$0x430]  }
0x62: {  	s0 =	sadd.s32 $0x80, s0;
	s14 =	sand.u32 $0x1000, s28;
	s1 =	sadd.s32 $0x1, s1;
	v7 =	vadd.f32 v20, v7;
	v25 =	vmul.f32 v26, v3;
	v20 =	vld [tilespmem:s25+$0x440]  }
0x63: {  	s0 =	sand.u32 $0x380, s0;
	s1 =	sadd.s32 s14, s23;
	v26 =	vld [tilespmem:s25+$0x450]  }
0x64: {  	v27 =	vld [tilespmem:s25+$0x460];
	s0 =	sadd.s32 s0, s1  }
0x65: {  	v28 =	vld [tilespmem:s0+$0x470]  }
0x66: {  	v29 =	vld [tilespmem:s0+$0x0]  }
0x67: {  	v30 =	vld [tilespmem:s0+$0x10]  }
0x68: {  	v31 =	vld [tilespmem:s0+$0x20]  }
0x69: {  	v32 =	vld [tilespmem:s0+$0x30]  }
0x6a: {  	v33 =	vld [tilespmem:s0+$0x40]  }
0x6b: {  	v34 =	vld [tilespmem:s0+$0x50]  }
0x6c: {  	v35 =	vld [tilespmem:s0+$0x60]  }
0x6d: {  	v36 =	vld [tilespmem:s0+$0x70]  }
0x6e: {  	v37 =	vmov s26;
	v38 =	vld [tilespmem:s0+$0x400]  }
0x6f: {  	v37 =	vperm.xlane v1, v37;
	v39 =	vld [tilespmem:s0+$0x410]  }
0x70: {  	v40 =	vld [tilespmem:s0+$0x420]  }
0x71: {  	v23 =	vmul.f32 v23, v3;
	v41 =	vld [tilespmem:s0+$0x430];
	v29 =	vmul.f32 v29, v37  }
0x72: {  	v11 =	vadd.f32 v24, v11;
	v18 =	vadd.f32 v25, v18;
	v25 =	vld [tilespmem:s0+$0x440];
	v24 =	vmul.f32 v30, v37  }
0x73: {  	v17 =	vadd.f32 v23, v17;
	v62 =	vld [tilespmem:s0+$0x450];
	v23 =	vmul.f32 v31, v37;
	v14 =	vadd.f32 v29, v14  }
0x74: {  	s24 =	sshll.u32 s24, $0x6;
	v22 =	vmul.f32 v22, v3;
	v63 =	vld [tilespmem:s0+$0x460];
	v12 =	vadd.f32 v24, v12;
	v24 =	vmul.f32 v32, v37  }
0x75: {  	v13 =	vadd.f32 v23, v13;
	[tilespmem:s24+$0x16C00] =	vst.add.f32.msk $0xffff, v14;
	v14 =	vmul.f32 v21, v3;
	v21 =	vmul.f32 v33, v37  }
0x76: {  	v16 =	vadd.f32 v22, v16;
	v10 =	vadd.f32 v24, v10;
	[tilespmem:s24+$0x16C10] =	vst.add.f32.msk $0xffff, v12;
	v12 =	vmul.f32 v34, v37  }
0x77: {  	[tilespmem:s24+$0x16C20] =	vst.add.f32.msk $0xffff, v13;
	v13 =	vmul.f32 v35, v37;
	v14 =	vadd.f32 v14, v15;
	v8 =	vadd.f32 v21, v8  }
0x78: {  	v7 =	vadd.f32 v12, v7;
	[tilespmem:s24+$0x16C30] =	vst.add.f32.msk $0xffff, v10;
	v10 =	vmul.f32 v19, v3;
	v12 =	vmul.f32 v36, v37  }
0x79: {  	v11 =	vadd.f32 v13, v11;
	v13 =	vmul.f32 v38, v37;
	[tilespmem:s24+$0x16C40] =	vst.add.f32.msk $0xffff, v8;
	v8 =	vmul.f32 v20, v3  }
0x7a: {  	v9 =	vadd.f32 v10, v9;
	v10 =	vadd.f32 v12, v18;
	v12 =	vmul.f32 v39, v37;
	[tilespmem:s24+$0x16C50] =	vst.add.f32.msk $0xffff, v7  }
0x7b: {  	s25 =	sand.u32 $0xFFFFFF80, s24;
	s26 =	sand.u32 $0x40, s24;
	v15 =	vmul.f32 v40, v37;
	v7 =	vmul.f32 v26, v3;
	v13 =	vadd.f32 v13, v17;
	[tilespmem:s24+$0x16C60] =	vst.add.f32.msk $0xffff, v11  }
0x7c: {  	s14 =	sor.u32 s26, s25;
	v11 =	vmul.f32 v41, v37;
	v6 =	vadd.f32 v8, v6;
	v8 =	vadd.f32 v12, v16;
	[tilespmem:s24+$0x16C70] =	vst.add.f32.msk $0xffff, v10  }
0x7d: {  	v3 =	vmul.f32 v27, v3;
	v10 =	vadd.f32 v15, v14;
	v12 =	vmul.f32 v25, v37;
	[tilespmem:s14+$0x16C80] =	vst.add.f32.msk $0xffff, v13  }
0x7e: {  	v5 =	vadd.f32 v7, v5;
	v7 =	vadd.f32 v11, v9;
	v9 =	vmul.f32 v62, v37;
	[tilespmem:s24+$0x16C90] =	vst.add.f32.msk $0xffff, v8  }
0x7f: {  	v3 =	vadd.f32 v3, v4;
	v4 =	vadd.f32 v12, v6;
	v6 =	vmul.f32 v63, v37;
	[tilespmem:s24+$0x16CA0] =	vst.add.f32.msk $0xffff, v10  }
0x80: {  	v8 =	vmul.f32 v28, v37;
	v5 =	vadd.f32 v9, v5;
	[tilespmem:s24+$0x16CB0] =	vst.add.f32.msk $0xffff, v7  }
0x81: {  	s15 =	simm.s32 $0x0;
	v3 =	vadd.f32 v6, v3;
	[tilespmem:s24+$0x16CC0] =	vst.add.f32.msk $0xffff, v4  }
0x82: {  	s16 =	sand.u32 $0x1000, s15;
	v2 =	vadd.f32 v8, v2;
	[tilespmem:s24+$0x16CD0] =	vst.add.f32.msk $0xffff, v5  }
0x83: {  	s31 =	sand.u32 $0x380, s15;
	s1 =	sadd.s32 s16, s23;
	[tilespmem:s24+$0x16CE0] =	vst.add.f32.msk $0xffff, v3  }
0x84: {  	s28 =	sadd.s32 s31, s1;
	[tilespmem:s24+$0x16CF0] =	vst.add.f32.msk $0xffff, v2  }
0x85: {  	v2 =	vld [tilespmem:s28+$0xC70]  }
0x86: {  	v4 =	vld [tilespmem:s28+$0x800]  }
0x87: {  	v5 =	vld [tilespmem:s28+$0x810]  }
0x88: {  	v6 =	vld [tilespmem:s28+$0x820]  }
0x89: {  	v7 =	vld [tilespmem:s28+$0x830]  }
0x8a: {  	v15 =	vld [tilespmem:s28+$0x860]  }
0x8b: {  	v3 =	vmov s15;
	v16 =	vld [tilespmem:s28+$0x870]  }
0x8c: {  	v3 =	vperm.xlane v1, v3;
	v8 =	vld [tilespmem:s28+$0x840]  }
0x8d: {  	v18 =	vimm.f32 $0.0e+00;
	v9 =	vld [tilespmem:s28+$0x850]  }
0x8e: {  	v17 =	vimm.f32 $0.0e+00;
	v2 =	vmul.f32 v2, v3;
	v4 =	vmul.f32 v4, v3  }
0x8f: {  	v11 =	vimm.f32 $0.0e+00;
	v5 =	vmul.f32 v5, v3;
	v24 =	vmul.f32 v15, v3  }
0x90: {  	v25 =	vmul.f32 v16, v3;
	v16 =	vimm.f32 $0.0e+00;
	v2 =	vadd.f32 v2, v11  }
0x91: {  	v23 =	vld [tilespmem:s28+$0xC00];
	v14 =	vadd.f32 v4, v11;
	v4 =	vmul.f32 v6, v3;
	v6 =	vmul.f32 v7, v3  }
0x92: {  	v22 =	vld [tilespmem:s28+$0xC10];
	v12 =	vadd.f32 v5, v11;
	v5 =	vmul.f32 v8, v3;
	v7 =	vmul.f32 v9, v3  }
0x93: {  	v21 =	vld [tilespmem:s28+$0xC20];
	v15 =	vimm.f32 $0.0e+00;
	v13 =	vadd.f32 v4, v11;
	v10 =	vadd.f32 v6, v11  }
0x94: {  	s29 =	simm.s32 $0x1;
	s30 =	simm.s32 $0x200;
	v19 =	vld [tilespmem:s28+$0xC30];
	v9 =	vimm.f32 $0.0e+00;
	v8 =	vadd.f32 v5, v11;
	v7 =	vadd.f32 v7, v11  }
0x95: {  	s0 =	simm.s32 $0x80;
	s1 =	simm.s32 $0x2;
	s14 =	sand.u32 $0x1000, s30;
	v20 =	vld [tilespmem:s28+$0xC40];
	v6 =	vimm.f32 $0.0e+00;
	v5 =	vimm.f32 $0.0e+00;
	v4 =	vimm.f32 $0.0e+00  }
.LBB2_10:
0x96: {  	p1 =	sne.s32 s1, $0xF;
	s15 =	sand.u32 $0x380, s0;
	s14 =	sadd.s32 s14, s23;
	v11 =	vadd.f32 v24, v11;
	v23 =	vmul.f32 v23, v3;
	v24 =	vld [tilespmem:s28+$0xC50]  }
0x97: {  	v18 =	vadd.f32 v25, v18;
	v22 =	vmul.f32 v22, v3;
	v25 =	vld [tilespmem:s28+$0xC60];
	s28 =	sadd.s32 s15, s14  }
0x98: {  	v26 =	vld [tilespmem:s28+$0xC70];
	v17 =	vadd.f32 v23, v17;
	v21 =	vmul.f32 v21, v3  }
0x99: {  	v23 =	vld [tilespmem:s28+$0x800];
	v16 =	vadd.f32 v22, v16;
	v19 =	vmul.f32 v19, v3  }
0x9a: {  	v22 =	vmov s29;
	s29 =	smov.u32 s1;
	v27 =	vld [tilespmem:s28+$0x810];
	v15 =	vadd.f32 v21, v15;
	v20 =	vmul.f32 v20, v3  }
0x9b: {  	v21 =	vperm.xlane v1, v22;
	v22 =	vld [tilespmem:s28+$0x820];
	v9 =	vadd.f32 v19, v9;
	v19 =	vmul.f32 v24, v3  }
0x9c: {  	v24 =	vld [tilespmem:s28+$0x830];
	v6 =	vadd.f32 v20, v6;
	v20 =	vmul.f32 v25, v3  }
0x9d: {  	v3 =	vmov v21;
	v25 =	vld [tilespmem:s28+$0x840];
	v26 =	vmul.f32 v26, v21;
	v5 =	vadd.f32 v19, v5  }
0x9e: {  	v19 =	vmul.f32 v23, v3;
	v21 =	vld [tilespmem:s28+$0x850];
	v4 =	vadd.f32 v20, v4  }
0x9f: {  	v20 =	vmul.f32 v27, v3;
	v27 =	vld [tilespmem:s28+$0x860];
	v2 =	vadd.f32 v26, v2  }
0xa0: {  	v14 =	vadd.f32 v19, v14;
	v19 =	vmul.f32 v22, v3;
	v26 =	vld [tilespmem:s28+$0x870]  }
.Ltmp3:
0xa1: {  	v12 =	vadd.f32 v20, v12;
	v20 =	vmul.f32 v24, v3;
	v23 =	vld [tilespmem:s28+$0xC00];
	(pc) =	sbr.rel @p1 .LBB2_10-.Ltmp3, $4  }
0xa2: {  	v13 =	vadd.f32 v19, v13;
	v19 =	vmul.f32 v25, v3;
	v22 =	vld [tilespmem:s28+$0xC10]  }
0xa3: {  	v10 =	vadd.f32 v20, v10;
	v20 =	vmul.f32 v21, v3;
	v21 =	vld [tilespmem:s28+$0xC20]  }
0xa4: {  	s30 =	sadd.s32 $0x200, s30;
	v8 =	vadd.f32 v19, v8;
	v24 =	vmul.f32 v27, v3;
	v19 =	vld [tilespmem:s28+$0xC30]  }
0xa5: {  	s0 =	sadd.s32 $0x80, s0;
	s14 =	sand.u32 $0x1000, s30;
	s1 =	sadd.s32 $0x1, s1;
	v7 =	vadd.f32 v20, v7;
	v25 =	vmul.f32 v26, v3;
	v20 =	vld [tilespmem:s28+$0xC40]  }
0xa6: {  	s0 =	sand.u32 $0x380, s0;
	s1 =	sadd.s32 s14, s23;
	v26 =	vld [tilespmem:s28+$0xC50]  }
0xa7: {  	v27 =	vld [tilespmem:s28+$0xC60];
	s0 =	sadd.s32 s0, s1  }
0xa8: {  	v28 =	vld [tilespmem:s0+$0xC70]  }
0xa9: {  	v29 =	vld [tilespmem:s0+$0x800]  }
0xaa: {  	v30 =	vld [tilespmem:s0+$0x810]  }
0xab: {  	v31 =	vld [tilespmem:s0+$0x820]  }
0xac: {  	v32 =	vld [tilespmem:s0+$0x830]  }
0xad: {  	v33 =	vld [tilespmem:s0+$0x840]  }
0xae: {  	v34 =	vld [tilespmem:s0+$0x850]  }
0xaf: {  	v35 =	vld [tilespmem:s0+$0x860]  }
0xb0: {  	v36 =	vld [tilespmem:s0+$0x870]  }
0xb1: {  	v37 =	vmov s29;
	v38 =	vld [tilespmem:s0+$0xC00]  }
0xb2: {  	v1 =	vperm.xlane v1, v37;
	v59 =	vld [tilespmem:s0+$0xC10]  }
0xb3: {  	v39 =	vld [tilespmem:s0+$0xC20]  }
0xb4: {  	v23 =	vmul.f32 v23, v3;
	v40 =	vld [tilespmem:s0+$0xC30];
	v29 =	vmul.f32 v29, v1  }
0xb5: {  	v11 =	vadd.f32 v24, v11;
	v18 =	vadd.f32 v25, v18;
	v61 =	vld [tilespmem:s0+$0xC40];
	v60 =	vmul.f32 v30, v1  }
0xb6: {  	v22 =	vmul.f32 v22, v3;
	v63 =	vld [tilespmem:s0+$0xC50];
	v62 =	vmul.f32 v31, v1;
	v14 =	vadd.f32 v29, v14  }
0xb7: {  	s31 =	sadd.s32 s26, s25;
	v17 =	vadd.f32 v23, v17;
	v42 =	vld [tilespmem:s0+$0xC60];
	v41 =	vmul.f32 v32, v1;
	v12 =	vadd.f32 v60, v12  }
0xb8: {  	v43 =	vmul.f32 v21, v3;
	v44 =	vmul.f32 v33, v1;
	v13 =	vadd.f32 v62, v13;
	[tilespmem:s31+$0x16D00] =	vst.add.f32.msk $0xffff, v14  }
0xb9: {  	v16 =	vadd.f32 v22, v16;
	v45 =	vmul.f32 v34, v1;
	v10 =	vadd.f32 v41, v10;
	[tilespmem:s24+$0x16D10] =	vst.add.f32.msk $0xffff, v12  }
0xba: {  	v47 =	vmul.f32 v19, v3;
	v46 =	vmul.f32 v35, v1;
	v8 =	vadd.f32 v44, v8;
	[tilespmem:s24+$0x16D20] =	vst.add.f32.msk $0xffff, v13  }
0xbb: {  	v49 =	vmul.f32 v20, v3;
	v48 =	vmul.f32 v36, v1;
	v7 =	vadd.f32 v45, v7;
	[tilespmem:s24+$0x16D30] =	vst.add.f32.msk $0xffff, v10  }
0xbc: {  	v51 =	vadd.f32 v47, v9;
	v50 =	vmul.f32 v38, v1;
	v11 =	vadd.f32 v46, v11;
	[tilespmem:s24+$0x16D40] =	vst.add.f32.msk $0xffff, v8  }
0xbd: {  	v54 =	vmul.f32 v26, v3;
	v53 =	vmul.f32 v59, v1;
	v52 =	vadd.f32 v48, v18;
	[tilespmem:s24+$0x16D50] =	vst.add.f32.msk $0xffff, v7  }
0xbe: {  	v3 =	vmul.f32 v27, v3;
	v57 =	vmul.f32 v40, v1;
	v55 =	vadd.f32 v50, v17;
	[tilespmem:s24+$0x16D60] =	vst.add.f32.msk $0xffff, v11  }
0xbf: {  	v6 =	vadd.f32 v49, v6;
	v59 =	vmul.f32 v61, v1;
	v10 =	vadd.f32 v53, v16;
	[tilespmem:s24+$0x16D70] =	vst.add.f32.msk $0xffff, v52  }
0xc0: {  	v5 =	vadd.f32 v54, v5;
	v61 =	vmul.f32 v63, v1;
	v60 =	vadd.f32 v57, v51;
	[tilespmem:s31+$0x16D80] =	vst.add.f32.msk $0xffff, v55  }
0xc1: {  	s22 =	sadd.s32 $0x1, s22;
	v3 =	vadd.f32 v3, v4;
	v63 =	vmul.f32 v42, v1;
	v62 =	vadd.f32 v59, v6;
	[tilespmem:s24+$0x16D90] =	vst.add.f32.msk $0xffff, v10  }
0xc2: {  	p1 =	sne.s32 s22, $0x4;
	v56 =	vmul.f32 v39, v1;
	v1 =	vmul.f32 v28, v1;
	v5 =	vadd.f32 v61, v5;
	[tilespmem:s24+$0x16DB0] =	vst.add.f32.msk $0xffff, v60  }
.Ltmp4:
0xc3: {  	v3 =	vadd.f32 v63, v3;
	v14 =	vadd.f32 v43, v15;
	[tilespmem:s24+$0x16DC0] =	vst.add.f32.msk $0xffff, v62;
	(pc) =	sbr.rel @p1 .LBB2_7-.Ltmp4, $4  }
0xc4: {  	v1 =	vadd.f32 v1, v2;
	[tilespmem:s24+$0x16DD0] =	vst.add.f32.msk $0xffff, v5  }
0xc5: {  	v58 =	vadd.f32 v56, v14;
	[tilespmem:s24+$0x16DE0] =	vst.add.f32.msk $0xffff, v3  }
0xc6: {  	[tilespmem:s24+$0x16DF0] =	vst.add.f32.msk $0xffff, v1  }
0xc7: {  	[tilespmem:s24+$0x16DA0] =	vst.add.f32.msk $0xffff, v58  }
0xc8: {  	s0 =	sadd.s32 $0x8, s21  }
0xc9: {  	p1 =	sge.u32 s0, s9  }
0xca: {  	s0 =	sshll.u32 @!p1 s0, $0xA  }
0xcb: {  	s0 =	sand.u32 @!p1 $0x1FFFE000, s0  }
0xcc: {  	s1 =	simm.s32 @!p1 $0x0;
	s14 =	simm.s32 @!p1 $0x6C00;
	s0 =	sadd.s32 @!p1 s2, s0  }
0xcd: {  	[tilespmem:s14], [sflag:$0x1] =	stream.linear.gather @!p1 [hbm4b:s0+s1], $0x8000, $0x38;
	[tilespmem:$0x18000] =	vst v63  }
0xce: {  	_ =	swait.ge [sflag:s18], $0x8000  }
0xcf: {  	s22 =	sor.u32 $0x4, s21;
	[sflag:s18] =	ssyncset.done $0x0  }
0xd0: {  	s23 =	simm.s32 $0x0;
	s24 =	simm.s32 $0x0;
	[sflag:s18] =	ssyncadd.s32 $0xFFFF8000  }
.LBB2_13:
0xd1: {  	s0 =	sor.u32 s22, s24;
	s1 =	sshll.u32 s24, $0xD  }
0xd2: {  	s26 =	ssub.s32 s0, s4;
	s15 =	sand.u32 $0x3FFFE000, s1  }
0xd3: {  	s31 =	sand.u32 $0x1000, s23;
	s16 =	sshll.u32 s26, $0x9;
	s25 =	sadd.s32 $0xEC00, s15  }
0xd4: {  	s14 =	sand.u32 $0x380, s23;
	s1 =	sshra.s32 s16, $0x2;
	s0 =	sadd.s32 s31, s25  }
0xd5: {  	v1 =	vld [tilespmem:s1+$0x4800];
	s28 =	sadd.s32 s14, s0  }
0xd6: {  	v2 =	vld [tilespmem:s28+$0x470]  }
0xd7: {  	v4 =	vld [tilespmem:s28+$0x0]  }
0xd8: {  	v5 =	vld [tilespmem:s28+$0x10]  }
0xd9: {  	v6 =	vld [tilespmem:s28+$0x20]  }
0xda: {  	v7 =	vld [tilespmem:s28+$0x30]  }
0xdb: {  	v15 =	vld [tilespmem:s28+$0x60]  }
0xdc: {  	v3 =	vmov s23;
	v16 =	vld [tilespmem:s28+$0x70]  }
0xdd: {  	v8 =	vld [tilespmem:s28+$0x40];
	v3 =	vperm.xlane v1, v3  }
0xde: {  	v11 =	vimm.f32 $0.0e+00;
	v9 =	vld [tilespmem:s28+$0x50]  }
0xdf: {  	v18 =	vimm.f32 $0.0e+00;
	v2 =	vmul.f32 v2, v3;
	v4 =	vmul.f32 v4, v3  }
0xe0: {  	v17 =	vimm.f32 $0.0e+00;
	v5 =	vmul.f32 v5, v3;
	v24 =	vmul.f32 v15, v3  }
0xe1: {  	v25 =	vmul.f32 v16, v3;
	v16 =	vimm.f32 $0.0e+00;
	v2 =	vadd.f32 v2, v11  }
0xe2: {  	v23 =	vld [tilespmem:s28+$0x400];
	v14 =	vadd.f32 v4, v11;
	v4 =	vmul.f32 v6, v3;
	v6 =	vmul.f32 v7, v3  }
0xe3: {  	v22 =	vld [tilespmem:s28+$0x410];
	v12 =	vadd.f32 v5, v11;
	v5 =	vmul.f32 v8, v3;
	v7 =	vmul.f32 v9, v3  }
0xe4: {  	v21 =	vld [tilespmem:s28+$0x420];
	v15 =	vimm.f32 $0.0e+00;
	v13 =	vadd.f32 v4, v11;
	v10 =	vadd.f32 v6, v11  }
0xe5: {  	s29 =	simm.s32 $0x1;
	s30 =	simm.s32 $0x200;
	v19 =	vld [tilespmem:s28+$0x430];
	v9 =	vimm.f32 $0.0e+00;
	v8 =	vadd.f32 v5, v11;
	v7 =	vadd.f32 v7, v11  }
0xe6: {  	s14 =	sand.u32 $0x1000, s30;
	s1 =	simm.s32 $0x2;
	s0 =	simm.s32 $0x80;
	v20 =	vld [tilespmem:s28+$0x440];
	v6 =	vimm.f32 $0.0e+00;
	v5 =	vimm.f32 $0.0e+00;
	v4 =	vimm.f32 $0.0e+00  }
.LBB2_14:
0xe7: {  	p1 =	sne.s32 s1, $0xF;
	s15 =	sand.u32 $0x380, s0;
	s14 =	sadd.s32 s14, s25;
	v11 =	vadd.f32 v24, v11;
	v23 =	vmul.f32 v23, v3;
	v24 =	vld [tilespmem:s28+$0x450]  }
0xe8: {  	v18 =	vadd.f32 v25, v18;
	v22 =	vmul.f32 v22, v3;
	v25 =	vld [tilespmem:s28+$0x460];
	s28 =	sadd.s32 s15, s14  }
0xe9: {  	v26 =	vld [tilespmem:s28+$0x470];
	v17 =	vadd.f32 v23, v17;
	v21 =	vmul.f32 v21, v3  }
0xea: {  	v23 =	vld [tilespmem:s28+$0x0];
	v16 =	vadd.f32 v22, v16;
	v19 =	vmul.f32 v19, v3  }
0xeb: {  	v22 =	vmov s29;
	s29 =	smov.u32 s1;
	v27 =	vld [tilespmem:s28+$0x10];
	v15 =	vadd.f32 v21, v15;
	v20 =	vmul.f32 v20, v3  }
0xec: {  	v21 =	vperm.xlane v1, v22;
	v22 =	vld [tilespmem:s28+$0x20];
	v9 =	vadd.f32 v19, v9;
	v19 =	vmul.f32 v24, v3  }
0xed: {  	v24 =	vld [tilespmem:s28+$0x30];
	v6 =	vadd.f32 v20, v6;
	v20 =	vmul.f32 v25, v3  }
0xee: {  	v3 =	vmov v21;
	v25 =	vld [tilespmem:s28+$0x40];
	v26 =	vmul.f32 v26, v21;
	v5 =	vadd.f32 v19, v5  }
0xef: {  	v19 =	vmul.f32 v23, v3;
	v21 =	vld [tilespmem:s28+$0x50];
	v4 =	vadd.f32 v20, v4  }
0xf0: {  	v20 =	vmul.f32 v27, v3;
	v27 =	vld [tilespmem:s28+$0x60];
	v2 =	vadd.f32 v26, v2  }
0xf1: {  	v14 =	vadd.f32 v19, v14;
	v19 =	vmul.f32 v22, v3;
	v26 =	vld [tilespmem:s28+$0x70]  }
.Ltmp5:
0xf2: {  	v12 =	vadd.f32 v20, v12;
	v20 =	vmul.f32 v24, v3;
	v23 =	vld [tilespmem:s28+$0x400];
	(pc) =	sbr.rel @p1 .LBB2_14-.Ltmp5, $4  }
0xf3: {  	v13 =	vadd.f32 v19, v13;
	v19 =	vmul.f32 v25, v3;
	v22 =	vld [tilespmem:s28+$0x410]  }
0xf4: {  	v10 =	vadd.f32 v20, v10;
	v20 =	vmul.f32 v21, v3;
	v21 =	vld [tilespmem:s28+$0x420]  }
0xf5: {  	s30 =	sadd.s32 $0x200, s30;
	v8 =	vadd.f32 v19, v8;
	v24 =	vmul.f32 v27, v3;
	v19 =	vld [tilespmem:s28+$0x430]  }
0xf6: {  	s0 =	sadd.s32 $0x80, s0;
	s14 =	sand.u32 $0x1000, s30;
	s1 =	sadd.s32 $0x1, s1;
	v7 =	vadd.f32 v20, v7;
	v25 =	vmul.f32 v26, v3;
	v20 =	vld [tilespmem:s28+$0x440]  }
0xf7: {  	s0 =	sand.u32 $0x380, s0;
	s1 =	sadd.s32 s14, s25;
	v26 =	vld [tilespmem:s28+$0x450]  }
0xf8: {  	v27 =	vld [tilespmem:s28+$0x460];
	s0 =	sadd.s32 s0, s1  }
0xf9: {  	v28 =	vld [tilespmem:s0+$0x470]  }
0xfa: {  	v29 =	vld [tilespmem:s0+$0x0]  }
0xfb: {  	v30 =	vld [tilespmem:s0+$0x10]  }
0xfc: {  	v31 =	vld [tilespmem:s0+$0x20]  }
0xfd: {  	v32 =	vld [tilespmem:s0+$0x30]  }
0xfe: {  	v33 =	vld [tilespmem:s0+$0x40]  }
0xff: {  	v34 =	vld [tilespmem:s0+$0x50]  }
0x100: {  	v35 =	vld [tilespmem:s0+$0x60]  }
0x101: {  	v36 =	vld [tilespmem:s0+$0x70]  }
0x102: {  	v37 =	vmov s29;
	v38 =	vld [tilespmem:s0+$0x400]  }
0x103: {  	v37 =	vperm.xlane v1, v37;
	v39 =	vld [tilespmem:s0+$0x410]  }
0x104: {  	v40 =	vld [tilespmem:s0+$0x420]  }
0x105: {  	v23 =	vmul.f32 v23, v3;
	v41 =	vld [tilespmem:s0+$0x430];
	v29 =	vmul.f32 v29, v37  }
0x106: {  	v11 =	vadd.f32 v24, v11;
	v18 =	vadd.f32 v25, v18;
	v25 =	vld [tilespmem:s0+$0x440];
	v24 =	vmul.f32 v30, v37  }
0x107: {  	v17 =	vadd.f32 v23, v17;
	v62 =	vld [tilespmem:s0+$0x450];
	v23 =	vmul.f32 v31, v37;
	v14 =	vadd.f32 v29, v14  }
0x108: {  	s26 =	sshll.u32 s26, $0x6;
	v22 =	vmul.f32 v22, v3;
	v63 =	vld [tilespmem:s0+$0x460];
	v12 =	vadd.f32 v24, v12;
	v24 =	vmul.f32 v32, v37  }
0x109: {  	v13 =	vadd.f32 v23, v13;
	[tilespmem:s26+$0x16C00] =	vst.add.f32.msk $0xffff, v14;
	v14 =	vmul.f32 v21, v3;
	v21 =	vmul.f32 v33, v37  }
0x10a: {  	v16 =	vadd.f32 v22, v16;
	v10 =	vadd.f32 v24, v10;
	[tilespmem:s26+$0x16C10] =	vst.add.f32.msk $0xffff, v12;
	v12 =	vmul.f32 v34, v37  }
0x10b: {  	[tilespmem:s26+$0x16C20] =	vst.add.f32.msk $0xffff, v13;
	v13 =	vmul.f32 v35, v37;
	v14 =	vadd.f32 v14, v15;
	v8 =	vadd.f32 v21, v8  }
0x10c: {  	v7 =	vadd.f32 v12, v7;
	[tilespmem:s26+$0x16C30] =	vst.add.f32.msk $0xffff, v10;
	v10 =	vmul.f32 v19, v3;
	v12 =	vmul.f32 v36, v37  }
0x10d: {  	v11 =	vadd.f32 v13, v11;
	v13 =	vmul.f32 v38, v37;
	[tilespmem:s26+$0x16C40] =	vst.add.f32.msk $0xffff, v8;
	v8 =	vmul.f32 v20, v3  }
0x10e: {  	v9 =	vadd.f32 v10, v9;
	v10 =	vadd.f32 v12, v18;
	v12 =	vmul.f32 v39, v37;
	[tilespmem:s26+$0x16C50] =	vst.add.f32.msk $0xffff, v7  }
0x10f: {  	s28 =	sand.u32 $0xFFFFFF80, s26;
	s29 =	sand.u32 $0x40, s26;
	v15 =	vmul.f32 v40, v37;
	v7 =	vmul.f32 v26, v3;
	v13 =	vadd.f32 v13, v17;
	[tilespmem:s26+$0x16C60] =	vst.add.f32.msk $0xffff, v11  }
0x110: {  	s14 =	sor.u32 s29, s28;
	v11 =	vmul.f32 v41, v37;
	v6 =	vadd.f32 v8, v6;
	v8 =	vadd.f32 v12, v16;
	[tilespmem:s26+$0x16C70] =	vst.add.f32.msk $0xffff, v10  }
0x111: {  	v3 =	vmul.f32 v27, v3;
	v10 =	vadd.f32 v15, v14;
	v12 =	vmul.f32 v25, v37;
	[tilespmem:s14+$0x16C80] =	vst.add.f32.msk $0xffff, v13  }
0x112: {  	v5 =	vadd.f32 v7, v5;
	v7 =	vadd.f32 v11, v9;
	v9 =	vmul.f32 v62, v37;
	[tilespmem:s26+$0x16C90] =	vst.add.f32.msk $0xffff, v8  }
0x113: {  	v3 =	vadd.f32 v3, v4;
	v4 =	vadd.f32 v12, v6;
	v6 =	vmul.f32 v63, v37;
	[tilespmem:s26+$0x16CA0] =	vst.add.f32.msk $0xffff, v10  }
0x114: {  	v8 =	vmul.f32 v28, v37;
	v5 =	vadd.f32 v9, v5;
	[tilespmem:s26+$0x16CB0] =	vst.add.f32.msk $0xffff, v7  }
0x115: {  	s0 =	simm.s32 $0x0;
	v3 =	vadd.f32 v6, v3;
	[tilespmem:s26+$0x16CC0] =	vst.add.f32.msk $0xffff, v4  }
0x116: {  	s15 =	sand.u32 $0x1000, s0;
	v2 =	vadd.f32 v8, v2;
	[tilespmem:s26+$0x16CD0] =	vst.add.f32.msk $0xffff, v5  }
0x117: {  	s16 =	sand.u32 $0x380, s0;
	s1 =	sadd.s32 s15, s25;
	[tilespmem:s26+$0x16CE0] =	vst.add.f32.msk $0xffff, v3  }
0x118: {  	s30 =	sadd.s32 s16, s1;
	[tilespmem:s26+$0x16CF0] =	vst.add.f32.msk $0xffff, v2  }
0x119: {  	v2 =	vld [tilespmem:s30+$0xC70]  }
0x11a: {  	v4 =	vld [tilespmem:s30+$0x800]  }
0x11b: {  	v5 =	vld [tilespmem:s30+$0x810]  }
0x11c: {  	v6 =	vld [tilespmem:s30+$0x820]  }
0x11d: {  	v7 =	vld [tilespmem:s30+$0x830]  }
0x11e: {  	v15 =	vld [tilespmem:s30+$0x860]  }
0x11f: {  	v3 =	vmov s0;
	v16 =	vld [tilespmem:s30+$0x870]  }
0x120: {  	v3 =	vperm.xlane v1, v3;
	v8 =	vld [tilespmem:s30+$0x840]  }
0x121: {  	v18 =	vimm.f32 $0.0e+00;
	v9 =	vld [tilespmem:s30+$0x850]  }
0x122: {  	v17 =	vimm.f32 $0.0e+00;
	v2 =	vmul.f32 v2, v3;
	v4 =	vmul.f32 v4, v3  }
0x123: {  	v11 =	vimm.f32 $0.0e+00;
	v5 =	vmul.f32 v5, v3;
	v24 =	vmul.f32 v15, v3  }
0x124: {  	v25 =	vmul.f32 v16, v3;
	v16 =	vimm.f32 $0.0e+00;
	v2 =	vadd.f32 v2, v11  }
0x125: {  	v23 =	vld [tilespmem:s30+$0xC00];
	v14 =	vadd.f32 v4, v11;
	v4 =	vmul.f32 v6, v3;
	v6 =	vmul.f32 v7, v3  }
0x126: {  	v22 =	vld [tilespmem:s30+$0xC10];
	v12 =	vadd.f32 v5, v11;
	v5 =	vmul.f32 v8, v3;
	v7 =	vmul.f32 v9, v3  }
0x127: {  	v21 =	vld [tilespmem:s30+$0xC20];
	v15 =	vimm.f32 $0.0e+00;
	v13 =	vadd.f32 v4, v11;
	v10 =	vadd.f32 v6, v11  }
0x128: {  	s31 =	simm.s32 $0x1;
	s1 =	simm.s32 $0x200;
	v19 =	vld [tilespmem:s30+$0xC30];
	v9 =	vimm.f32 $0.0e+00;
	v8 =	vadd.f32 v5, v11;
	v7 =	vadd.f32 v7, v11  }
0x129: {  	s15 =	sand.u32 $0x1000, s1;
	s14 =	simm.s32 $0x80;
	s0 =	simm.s32 $0x2;
	v20 =	vld [tilespmem:s30+$0xC40];
	v6 =	vimm.f32 $0.0e+00;
	v5 =	vimm.f32 $0.0e+00;
	v4 =	vimm.f32 $0.0e+00  }
.LBB2_16:
0x12a: {  	p1 =	sne.s32 s0, $0xF;
	s16 =	sand.u32 $0x380, s14;
	s15 =	sadd.s32 s15, s25;
	v11 =	vadd.f32 v24, v11;
	v23 =	vmul.f32 v23, v3;
	v24 =	vld [tilespmem:s30+$0xC50]  }
0x12b: {  	v18 =	vadd.f32 v25, v18;
	v22 =	vmul.f32 v22, v3;
	v25 =	vld [tilespmem:s30+$0xC60];
	s30 =	sadd.s32 s16, s15  }
0x12c: {  	v26 =	vld [tilespmem:s30+$0xC70];
	v17 =	vadd.f32 v23, v17;
	v21 =	vmul.f32 v21, v3  }
0x12d: {  	v23 =	vld [tilespmem:s30+$0x800];
	v16 =	vadd.f32 v22, v16;
	v19 =	vmul.f32 v19, v3  }
0x12e: {  	v22 =	vmov s31;
	s31 =	smov.u32 s0;
	v27 =	vld [tilespmem:s30+$0x810];
	v15 =	vadd.f32 v21, v15;
	v20 =	vmul.f32 v20, v3  }
0x12f: {  	v21 =	vperm.xlane v1, v22;
	v22 =	vld [tilespmem:s30+$0x820];
	v9 =	vadd.f32 v19, v9;
	v19 =	vmul.f32 v24, v3  }
0x130: {  	v24 =	vld [tilespmem:s30+$0x830];
	v6 =	vadd.f32 v20, v6;
	v20 =	vmul.f32 v25, v3  }
0x131: {  	v3 =	vmov v21;
	v25 =	vld [tilespmem:s30+$0x840];
	v26 =	vmul.f32 v26, v21;
	v5 =	vadd.f32 v19, v5  }
0x132: {  	v19 =	vmul.f32 v23, v3;
	v21 =	vld [tilespmem:s30+$0x850];
	v4 =	vadd.f32 v20, v4  }
0x133: {  	v20 =	vmul.f32 v27, v3;
	v27 =	vld [tilespmem:s30+$0x860];
	v2 =	vadd.f32 v26, v2  }
0x134: {  	v14 =	vadd.f32 v19, v14;
	v19 =	vmul.f32 v22, v3;
	v26 =	vld [tilespmem:s30+$0x870]  }
.Ltmp6:
0x135: {  	v12 =	vadd.f32 v20, v12;
	v20 =	vmul.f32 v24, v3;
	v23 =	vld [tilespmem:s30+$0xC00];
	(pc) =	sbr.rel @p1 .LBB2_16-.Ltmp6, $4  }
0x136: {  	v13 =	vadd.f32 v19, v13;
	v19 =	vmul.f32 v25, v3;
	v22 =	vld [tilespmem:s30+$0xC10]  }
0x137: {  	v10 =	vadd.f32 v20, v10;
	v20 =	vmul.f32 v21, v3;
	v21 =	vld [tilespmem:s30+$0xC20]  }
0x138: {  	s1 =	sadd.s32 $0x200, s1;
	v8 =	vadd.f32 v19, v8;
	v24 =	vmul.f32 v27, v3;
	v19 =	vld [tilespmem:s30+$0xC30]  }
0x139: {  	s14 =	sadd.s32 $0x80, s14;
	s15 =	sand.u32 $0x1000, s1;
	s0 =	sadd.s32 $0x1, s0;
	v7 =	vadd.f32 v20, v7;
	v25 =	vmul.f32 v26, v3;
	v20 =	vld [tilespmem:s30+$0xC40]  }
0x13a: {  	s0 =	sand.u32 $0x380, s14;
	s1 =	sadd.s32 s15, s25;
	v26 =	vld [tilespmem:s30+$0xC50]  }
0x13b: {  	v27 =	vld [tilespmem:s30+$0xC60];
	s0 =	sadd.s32 s0, s1  }
0x13c: {  	v28 =	vld [tilespmem:s0+$0xC70]  }
0x13d: {  	v29 =	vld [tilespmem:s0+$0x800]  }
0x13e: {  	v30 =	vld [tilespmem:s0+$0x810]  }
0x13f: {  	v31 =	vld [tilespmem:s0+$0x820]  }
0x140: {  	v32 =	vld [tilespmem:s0+$0x830]  }
0x141: {  	v33 =	vld [tilespmem:s0+$0x840]  }
0x142: {  	v34 =	vld [tilespmem:s0+$0x850]  }
0x143: {  	v35 =	vld [tilespmem:s0+$0x860]  }
0x144: {  	v36 =	vld [tilespmem:s0+$0x870]  }
0x145: {  	v37 =	vmov s31;
	v38 =	vld [tilespmem:s0+$0xC00]  }
0x146: {  	v1 =	vperm.xlane v1, v37;
	v59 =	vld [tilespmem:s0+$0xC10]  }
0x147: {  	v39 =	vld [tilespmem:s0+$0xC20]  }
0x148: {  	v23 =	vmul.f32 v23, v3;
	v40 =	vld [tilespmem:s0+$0xC30];
	v29 =	vmul.f32 v29, v1  }
0x149: {  	v11 =	vadd.f32 v24, v11;
	v18 =	vadd.f32 v25, v18;
	v61 =	vld [tilespmem:s0+$0xC40];
	v60 =	vmul.f32 v30, v1  }
0x14a: {  	v22 =	vmul.f32 v22, v3;
	v63 =	vld [tilespmem:s0+$0xC50];
	v62 =	vmul.f32 v31, v1;
	v14 =	vadd.f32 v29, v14  }
0x14b: {  	s31 =	sadd.s32 s29, s28;
	v17 =	vadd.f32 v23, v17;
	v42 =	vld [tilespmem:s0+$0xC60];
	v41 =	vmul.f32 v32, v1;
	v12 =	vadd.f32 v60, v12  }
0x14c: {  	v43 =	vmul.f32 v21, v3;
	v44 =	vmul.f32 v33, v1;
	v13 =	vadd.f32 v62, v13;
	[tilespmem:s31+$0x16D00] =	vst.add.f32.msk $0xffff, v14  }
0x14d: {  	v16 =	vadd.f32 v22, v16;
	v45 =	vmul.f32 v34, v1;
	v10 =	vadd.f32 v41, v10;
	[tilespmem:s26+$0x16D10] =	vst.add.f32.msk $0xffff, v12  }
0x14e: {  	v47 =	vmul.f32 v19, v3;
	v46 =	vmul.f32 v35, v1;
	v8 =	vadd.f32 v44, v8;
	[tilespmem:s26+$0x16D20] =	vst.add.f32.msk $0xffff, v13  }
0x14f: {  	v49 =	vmul.f32 v20, v3;
	v48 =	vmul.f32 v36, v1;
	v7 =	vadd.f32 v45, v7;
	[tilespmem:s26+$0x16D30] =	vst.add.f32.msk $0xffff, v10  }
0x150: {  	v51 =	vadd.f32 v47, v9;
	v50 =	vmul.f32 v38, v1;
	v11 =	vadd.f32 v46, v11;
	[tilespmem:s26+$0x16D40] =	vst.add.f32.msk $0xffff, v8  }
0x151: {  	v54 =	vmul.f32 v26, v3;
	v53 =	vmul.f32 v59, v1;
	v52 =	vadd.f32 v48, v18;
	[tilespmem:s26+$0x16D50] =	vst.add.f32.msk $0xffff, v7  }
0x152: {  	v3 =	vmul.f32 v27, v3;
	v57 =	vmul.f32 v40, v1;
	v55 =	vadd.f32 v50, v17;
	[tilespmem:s26+$0x16D60] =	vst.add.f32.msk $0xffff, v11  }
0x153: {  	v6 =	vadd.f32 v49, v6;
	v59 =	vmul.f32 v61, v1;
	v10 =	vadd.f32 v53, v16;
	[tilespmem:s26+$0x16D70] =	vst.add.f32.msk $0xffff, v52  }
0x154: {  	v5 =	vadd.f32 v54, v5;
	v61 =	vmul.f32 v63, v1;
	v60 =	vadd.f32 v57, v51;
	[tilespmem:s31+$0x16D80] =	vst.add.f32.msk $0xffff, v55  }
0x155: {  	s24 =	sadd.s32 $0x1, s24;
	v3 =	vadd.f32 v3, v4;
	v63 =	vmul.f32 v42, v1;
	v62 =	vadd.f32 v59, v6;
	[tilespmem:s26+$0x16D90] =	vst.add.f32.msk $0xffff, v10  }
0x156: {  	p1 =	sne.s32 s24, $0x4;
	v56 =	vmul.f32 v39, v1;
	v1 =	vmul.f32 v28, v1;
	v5 =	vadd.f32 v61, v5;
	[tilespmem:s26+$0x16DB0] =	vst.add.f32.msk $0xffff, v60  }
.Ltmp7:
0x157: {  	v3 =	vadd.f32 v63, v3;
	v14 =	vadd.f32 v43, v15;
	[tilespmem:s26+$0x16DC0] =	vst.add.f32.msk $0xffff, v62;
	(pc) =	sbr.rel @p1 .LBB2_13-.Ltmp7, $4  }
0x158: {  	v1 =	vadd.f32 v1, v2;
	[tilespmem:s26+$0x16DD0] =	vst.add.f32.msk $0xffff, v5  }
0x159: {  	v58 =	vadd.f32 v56, v14;
	[tilespmem:s26+$0x16DE0] =	vst.add.f32.msk $0xffff, v3  }
0x15a: {  	[tilespmem:s26+$0x16DF0] =	vst.add.f32.msk $0xffff, v1  }
0x15b: {  	[tilespmem:s26+$0x16DA0] =	vst.add.f32.msk $0xffff, v58  }
0x15c: {  	s0 =	sadd.s32 $0xC, s21  }
0x15d: {  	p1 =	sge.u32 s0, s9  }
0x15e: {  	s0 =	sshll.u32 @!p1 s0, $0xA  }
0x15f: {  	s20 =	sadd.s32 $0x1, s20;
	s0 =	sand.u32 @!p1 $0x1FFFF000, s0  }
0x160: {  	s1 =	simm.s32 @!p1 $0x0;
	s14 =	simm.s32 @!p1 $0xEC00;
	s0 =	sadd.s32 @!p1 s2, s0  }
0x161: {  	[tilespmem:s14], [sflag:$0x2] =	stream.linear.gather @!p1 [hbm4b:s0+s1], $0x8000, $0x38;
	[tilespmem:$0x18000] =	vst v63  }
0x162: {  	p1 =	sne.s32 s20, $0x9  }
.Ltmp8:
0x163: {  	_ = 	snop;
	(pc) =	sbr.rel @p1 .LBB2_6-.Ltmp8, $1  }
0x164: {  	_ =	sdelay $0x3  }
0x165: {  	s0 =	simm.s32 @p0 $0x0;
	s1 =	simm.s32 @p0 $0x16E00  }
0x166: {  	[hbm4b:s11+s0] =	stream.linear.scatter @p0 [tilespmem:s1], [sflag:$0x3], $0x1200, $0x38;
	[tilespmem:$0x18000] =	vst v63  }
0x167: {  	s0 =	simm.s32 @p0 $0x3  }
0x168: {  	_ =	swait.ge @p0 [sflag:s0], $0x1200  }
0x169: {  	s19 =	sadd.s32 $0x1, s19;
	s1 =	simm.s32 @!p0 $0x16E00;
	[sflag:s0] =	ssyncset.done @p0 $0x0  }
0x16a: {  	p1 =	sne.s32 s19, s12;
	[sflag:s0] =	ssyncadd.s32 @p0 $0xFFFFEE00;
	s0 =	simm.s32 @!p0 $0x0  }
0x16b: {  	[hbm4b:s10+s0] =	stream.linear.scatter @!p0 [tilespmem:s1], [sflag:$0x3], $0x1000, $0x38;
	[tilespmem:$0x18000] =	vst v63  }
.Ltmp9:
0x16c: {  	_ = 	snop;
	(pc) =	sbr.rel @p1 .LBB2_1-.Ltmp9, $4  }
0x16d: {  	s0 =	simm.s32 @!p0 $0x3  }
0x16e: {  	_ =	swait.ge @!p0 [sflag:s0], $0x1000  }
0x16f: {  	[sflag:s0] =	ssyncset.done @!p0 $0x0  }
0x170: {  	[sflag:s0] =	ssyncadd.s32 @!p0 $0xFFFFF000  }
0x171: {  	_ =	sfence.sel $0x180000  }
0x172: {  	[bflag:$0x0] =	sbarrier.arrive $0xFFFF  }
0x173: {  	_ =	strace $0x90000047  }
0x174: {  	s0 =	stileid.u32;
	[bflag:$0x2] =	sbarrier.arrive $0xFFFF  }
0x175: {  	p0 =	sne.s32 s0, $0x0;
	s0 =	rddreg [dreg:$0x2]  }
0x176: {  	s0 =	sadd.s32 @!p0 $0x100000, s0  }
0x177: {  	[sflag:s0] =	ssyncadd.tile.s32 @!p0 $0x1;
	_ =	shalt  }
.Lfunc_end2:
_tile_overlayer_lowered:
.L_overlay_start_2:
0x178: {  	(tag) =	ssettag $0x2  }
0x179: {  	s0 =	rddreg [dreg:$0x0];
	s2 =	stileid.u32  }
0x17a: {  	s1 =	rddreg [dreg:$0x1];
	p0 =	sne.s32 s2, $0x0  }
0x17b: {  	s3 =	rddreg [dreg:$0x2];
	[bflag:$0x3] =	sbarrier.arrive $0xFFFF;
	s2 =	simm.s32 @!p0 $0x1C03  }
0x17c: {  	[timem:s3], [sflag:s2] =	dma.local @!p0 [hbm:s0], s1  }
0x17d: {  	s0 =	simm.s32 @!p0 $0x3  }
0x17e: {  	_ =	swait.ge @!p0 [sflag:s0], s1  }
0x17f: {  	s1 =	ssub.s32 @!p0 $0x0, s1;
	[sflag:s0] =	ssyncset.done @!p0 $0x0  }
0x180: {  	[sflag:s0] =	ssyncadd.s32 @!p0 s1  }
0x181: {  	[bflag:$0x3] =	sbarrier.arrive $0xFFFF  }
0x182: {  	_ =	shalt  }

</sc_bundles>
